<compile_context>
chip_gen: v7x
topology: tpu7x:2x2x1
jax: 0.10.2.dev20260603
libtpu: 0.0.44.dev20260713+nightly
codegen_flags: <defaults>
</compile_context>

<pallas_src>
import functools

import jax
import jax.numpy as jnp
from jax import lax
from jax.experimental import pallas as pl
from jax.experimental.pallas import tpu as pltpu
from jax.experimental.pallas import tpu_sc as plsc

N = 10000
NP = 10240
D = 128
E = 320000
L = 16
C = 128
NC, NS = 2, 16
NW = NC * NS
EPW = E // NW
NFULL = EPW // C
TAIL = EPW - NFULL * C
TAIL_OFF = NFULL * C

GBR = 512


def _normalize(z):
    def body(z_ref, out_ref):
        zz = z_ref[...]
        norm = jnp.sqrt(jnp.sum(zz * zz, axis=1, keepdims=True))
        out_ref[...] = (zz / jnp.maximum(norm, 1e-12)).astype(jnp.bfloat16)

    return pl.pallas_call(
        body,
        out_shape=jax.ShapeDtypeStruct((N, D), jnp.bfloat16),
        grid=(10,),
        in_specs=[pl.BlockSpec((N // 10, D), lambda i: (i, 0))],
        out_specs=pl.BlockSpec((N // 10, D), lambda i: (i, 0)),
    )(z)


def _gram_flat(znp):

    def body(a_ref, b_ref, out_ref):
        res = lax.dot_general(
            a_ref[...], b_ref[...],
            dimension_numbers=(((1,), (1,)), ((), ())),
            preferred_element_type=jnp.float32,
        )
        lo = lax.bitcast_convert_type(
            res[:, :NP // 2].astype(jnp.bfloat16), jnp.uint16
        ).astype(jnp.uint32)
        hi = lax.bitcast_convert_type(
            res[:, NP // 2:].astype(jnp.bfloat16), jnp.uint16
        ).astype(jnp.uint32)
        words = lax.bitcast_convert_type(lo | (hi << 16), jnp.int32)
        out_ref[...] = words.reshape(GBR * NP // 2)

    return pl.pallas_call(
        body,
        out_shape=jax.ShapeDtypeStruct((NP * NP // 2,), jnp.int32),
        grid=(NP // GBR,),
        in_specs=[
            pl.BlockSpec((GBR, D), lambda i: (i, 0)),
            pl.BlockSpec((NP, D), lambda i: (0, 0)),
        ],
        out_specs=pl.BlockSpec((GBR * NP // 2,), lambda i: (i,)),
    )(znp, znp)


def _make_sc_kernel():
    mesh = plsc.VectorSubcoreMesh(core_axis_name="c", subcore_axis_name="s")

    @functools.partial(
        pl.kernel,
        out_type=jax.ShapeDtypeStruct((E,), jnp.float32),
        mesh=mesh,
        compiler_params=pltpu.CompilerParams(needs_layout_passes=False),
        scratch_types=[
            pltpu.VMEM((EPW,), jnp.int32),
            pltpu.VMEM((EPW,), jnp.int32),
            pltpu.VMEM((EPW,), jnp.int32),
            pltpu.VMEM((EPW,), jnp.int32),
            pltpu.VMEM((EPW,), jnp.float32),
            pltpu.SemaphoreType.DMA,
            pltpu.SemaphoreType.DMA,
        ],
    )
    def scorer(g_hbm, src_hbm, tgt_hbm, out_hbm, sidx, tidx, fidx, words,
               scores, sem0, sem1):
        w = lax.axis_index("s") * NC + lax.axis_index("c")
        base = w * EPW
        sems = (sem0, sem1)

        pltpu.sync_copy(src_hbm.at[pl.ds(base, EPW)], sidx)
        pltpu.sync_copy(tgt_hbm.at[pl.ds(base, EPW)], tidx)

        def flatten(v, _):
            off = pl.multiple_of(v * L, L)
            s = sidx[pl.ds(off, L)]
            t = tidx[pl.ds(off, L)]
            tm = jnp.where(t >= NP // 2, t - NP // 2, t)
            fidx[pl.ds(off, L)] = s * (NP // 2) + tm
            return _

        lax.fori_loop(0, EPW // L, flatten, None)

        def start(i, b, n):
            off = pl.multiple_of(i * C, C)
            pltpu.async_copy(g_hbm.at[fidx.at[pl.ds(off, n)]],
                             words.at[pl.ds(off, n)], sems[b])

        def wait(b, n):
            pltpu.make_async_copy(g_hbm.at[pl.ds(0, n)],
                                  words.at[pl.ds(0, n)], sems[b]).wait()

        def compute(i, n):
            coff = pl.multiple_of(i * C, C)
            for g in range(n // L):
                off = pl.multiple_of(coff + g * L, L)
                w = words[pl.ds(off, L)]
                in_hi = tidx[pl.ds(off, L)] >= NP // 2
                bits = jnp.where(in_hi, w & jnp.int32(-65536), w << 16)
                v = lax.bitcast_convert_type(bits, jnp.float32)
                scores[pl.ds(off, L)] = jnp.exp(v - 1.0)

        start(0, 0, C)
        start(1, 1, C)

        def pair(t, carry):
            for b in range(2):
                i = 2 * t + b
                wait(b, C)
                compute(i, C)

                @pl.when(i + 2 < NFULL)
                def _():
                    start(i + 2, b, C)

            return carry

        lax.fori_loop(0, NFULL // 2, pair, None)

        pltpu.sync_copy(g_hbm.at[fidx.at[pl.ds(TAIL_OFF, TAIL)]],
                        words.at[pl.ds(TAIL_OFF, TAIL)])
        compute(NFULL, TAIL)

        pltpu.sync_copy(scores, out_hbm.at[pl.ds(base, EPW)])

    return scorer


_sc_score = _make_sc_kernel()


def kernel(z, edge_index):
    zn = _normalize(z.astype(jnp.float32))
    znp = jnp.pad(zn, ((0, NP - N), (0, 0)))
    g = _gram_flat(znp)
    ei = edge_index.astype(jnp.int32)
    return _sc_score(g, ei[0], ei[1])

# --- scband reference (transcript-rebuilt; emitter-appended) ---
"""Pipeline reference for scband-link-prediction-decoder-kernel-14637248545242 (READ-ONLY COPY).

The authoritative reference and input builder live on the scoring server;
editing this copy changes nothing except your own understanding.
"""

import jax, jax.numpy as jnp
import numpy as np

SIGMA = 1.0

def setup_inputs(seed: int = 0) -> dict:
    key = jax.random.key(seed)
    k1, k2 = jax.random.split(key)
    z = jax.random.normal(k1, (10000, 128), dtype=jnp.float32)
    edge_index = jax.random.randint(k2, (2, 320000), 0, 10000, dtype=jnp.int64)
    return {"z": z, "edge_index": edge_index}

def reference(z, edge_index):
    source = edge_index[0]
    target = edge_index[1]
    # F.normalize(z, p=2, dim=1, eps=1e-12)
    norm = jnp.sqrt(jnp.sum(z * z, axis=1, keepdims=True))
    z_n = z / jnp.maximum(norm, 1e-12)
    z_source = jnp.take(z_n, source, axis=0)
    z_target = jnp.take(z_n, target, axis=0)
    diff = z_source - z_target
    dist_squared = jnp.sum(diff * diff, axis=1)
    score = jnp.exp(-dist_squared / (2.0 * SIGMA ** 2))
    return score

if __name__ == "__main__":
    import jax
    _d = setup_inputs()
    print(jax.jit(kernel)(*tuple(_d.values())))

</pallas_src>

<mosaic_0001>
#map = affine_map<(d0, d1) -> (0)>
module attributes {stable_mosaic.version = 14 : i64} {
  func.func @scorer(%arg0: i32, %arg1: i32, %arg2: memref<52428800xi32, #tpu.memory_space<hbm>>, %arg3: memref<320000xi32, #tpu.memory_space<hbm>>, %arg4: memref<320000xi32, #tpu.memory_space<hbm>>, %arg5: memref<320000xf32, #tpu.memory_space<hbm>>, %arg6: memref<10000xi32, #tpu.memory_space<vmem>>, %arg7: memref<10000xi32, #tpu.memory_space<vmem>>, %arg8: memref<10000xi32, #tpu.memory_space<vmem>>, %arg9: memref<10000xi32, #tpu.memory_space<vmem>>, %arg10: memref<10000xf32, #tpu.memory_space<vmem>>, %arg11: memref<!tpu.dma_semaphore, #tpu.memory_space<semaphore_mem>>, %arg12: memref<!tpu.dma_semaphore, #tpu.memory_space<semaphore_mem>>) attributes {dimension_semantics = [#tpu.dimension_semantics<core_parallel>, #tpu.dimension_semantics<subcore_parallel>], iteration_bounds = array<i64: 2, 16>, scalar_prefetch = 0 : i64, scratch_operands = 7 : i64, tpu.core_type = #tpu.core_type<sc_vector_subcore>, window_params = [{transform_indices = #map}, {transform_indices = #map}, {transform_indices = #map}, {transform_indices = #map}]} {
    %mul3A = arith.constant 2 : i32
    %mul3A_0 = arith.muli %arg1, %mul3A : i32
    %add3A = arith.addi %mul3A_0, %arg0 : i32
    %mul3A_1 = arith.constant 10000 : i32
    %mul3A_2 = arith.muli %add3A, %mul3A_1 : i32
    "tpu.region"() ({
      %run_scoped3A = tpu.sem_alloc : memref<!tpu.dma_semaphore, #tpu.memory_space<semaphore_mem>>
      %dma_start3A_39 = tpu.memref_slice %arg3[%mul3A_2] : memref<320000xi32, #tpu.memory_space<hbm>> -> memref<10000xi32, #tpu.memory_space<hbm>>
      %dma_start3A_40 = tpu.memref_slice %arg3[%mul3A_2] : memref<320000xi32, #tpu.memory_space<hbm>> -> memref<10000xi32, #tpu.memory_space<hbm>>
      tpu.enqueue_dma source(%dma_start3A_40 : memref<10000xi32, #tpu.memory_space<hbm>>) target(%arg6 : memref<10000xi32, #tpu.memory_space<vmem>>) target_semaphore(%run_scoped3A : memref<!tpu.dma_semaphore, #tpu.memory_space<semaphore_mem>>)
      %dma_wait3A = tpu.memref_slice %arg3[%mul3A_2] : memref<320000xi32, #tpu.memory_space<hbm>> -> memref<10000xi32, #tpu.memory_space<hbm>>
      %dma_wait3A_41 = tpu.memref_slice %arg3[%mul3A_2] : memref<320000xi32, #tpu.memory_space<hbm>> -> memref<10000xi32, #tpu.memory_space<hbm>>
      tpu.wait_dma2 semaphore(%run_scoped3A : memref<!tpu.dma_semaphore, #tpu.memory_space<semaphore_mem>>) src(%dma_wait3A_41 : memref<10000xi32, #tpu.memory_space<hbm>>) dst(%arg6 : memref<10000xi32, #tpu.memory_space<vmem>>)
      tpu.yield
    }) : () -> ()
    "tpu.region"() ({
      %run_scoped3A = tpu.sem_alloc : memref<!tpu.dma_semaphore, #tpu.memory_space<semaphore_mem>>
      %dma_start3A_39 = tpu.memref_slice %arg4[%mul3A_2] : memref<320000xi32, #tpu.memory_space<hbm>> -> memref<10000xi32, #tpu.memory_space<hbm>>
      %dma_start3A_40 = tpu.memref_slice %arg4[%mul3A_2] : memref<320000xi32, #tpu.memory_space<hbm>> -> memref<10000xi32, #tpu.memory_space<hbm>>
      tpu.enqueue_dma source(%dma_start3A_40 : memref<10000xi32, #tpu.memory_space<hbm>>) target(%arg7 : memref<10000xi32, #tpu.memory_space<vmem>>) target_semaphore(%run_scoped3A : memref<!tpu.dma_semaphore, #tpu.memory_space<semaphore_mem>>)
      %dma_wait3A = tpu.memref_slice %arg4[%mul3A_2] : memref<320000xi32, #tpu.memory_space<hbm>> -> memref<10000xi32, #tpu.memory_space<hbm>>
      %dma_wait3A_41 = tpu.memref_slice %arg4[%mul3A_2] : memref<320000xi32, #tpu.memory_space<hbm>> -> memref<10000xi32, #tpu.memory_space<hbm>>
      tpu.wait_dma2 semaphore(%run_scoped3A : memref<!tpu.dma_semaphore, #tpu.memory_space<semaphore_mem>>) src(%dma_wait3A_41 : memref<10000xi32, #tpu.memory_space<hbm>>) dst(%arg7 : memref<10000xi32, #tpu.memory_space<vmem>>)
      tpu.yield
    }) : () -> ()
    %scan3A = arith.constant 0 : i32
    %scan3A_3 = arith.constant 625 : i32
    %scan3A_4 = arith.addi %scan3A, %scan3A_3 : i32
    %scan3A_5 = arith.constant 1 : i32
    scf.for %scan3A_39 = %scan3A to %scan3A_4 step %scan3A_5  : i32 {
      %mul3A_40 = arith.constant 16 : i32
      %mul3A_41 = arith.muli %scan3A_39, %mul3A_40 : i32
      %multiple_of3A_42 = tpu.assume_multiple %mul3A_41, 16 : i32
      %get3A_43 = arith.index_cast %multiple_of3A_42 : i32 to index
      %get3A_44 = tpu.vector_load %arg6[%get3A_43] {strides = array<i32>} : memref<10000xi32, #tpu.memory_space<vmem>>, vector<16xi32>,
      %get3A_45 = arith.index_cast %multiple_of3A_42 : i32 to index
      %get3A_46 = tpu.vector_load %arg7[%get3A_45] {strides = array<i32>} : memref<10000xi32, #tpu.memory_space<vmem>>, vector<16xi32>,
      %ge3A_47 = arith.constant 5120 : i32
      %ge3A_48 = vector.broadcast %ge3A_47 : i32 to vector<16xi32>
      %ge3A_49 = arith.cmpi sge, %get3A_46, %ge3A_48 : vector<16xi32>
      %sub3A_50 = arith.constant 5120 : i32
      %sub3A_51 = vector.broadcast %sub3A_50 : i32 to vector<16xi32>
      %sub3A_52 = arith.subi %get3A_46, %sub3A_51 : vector<16xi32>
      %select_n3A_53 = arith.select %ge3A_49, %sub3A_52, %get3A_46 : vector<16xi1>, vector<16xi32>
      %mul3A_54 = arith.constant 5120 : i32
      %mul3A_55 = vector.broadcast %mul3A_54 : i32 to vector<16xi32>
      %mul3A_56 = arith.muli %get3A_44, %mul3A_55 : vector<16xi32>
      %add3A_57 = arith.addi %mul3A_56, %select_n3A_53 : vector<16xi32>
      %swap3A_58 = arith.index_cast %multiple_of3A_42 : i32 to index
      %swap3A_59 = tpu.vector_load %arg8[%swap3A_58] {strides = array<i32>} : memref<10000xi32, #tpu.memory_space<vmem>>, vector<16xi32>,
      tpu.vector_store %arg8[%swap3A_58], %add3A_57 {strides = array<i32>} : memref<10000xi32, #tpu.memory_space<vmem>>, vector<16xi32>,
    }
    %scan3A_6 = arith.constant 625 : i32
    %multiple_of3A = arith.constant 0 : i32
    %multiple_of3A_7 = tpu.assume_multiple %multiple_of3A, 128 : i32
    %dma_start3A = tpu.memref_slice %arg9[%multiple_of3A_7] : memref<10000xi32, #tpu.memory_space<vmem>> -> memref<128xi32, #tpu.memory_space<vmem>>
    %dma_start3A_8 = tpu.memref_slice %arg8[%multiple_of3A_7] : memref<10000xi32, #tpu.memory_space<vmem>> -> memref<128xi32, #tpu.memory_space<vmem>>
    %dma_start3A_9 = arith.constant 0 : i32
    %dma_start3A_10 = tpu.memref_slice %arg2[%dma_start3A_9] : memref<52428800xi32, #tpu.memory_space<hbm>> -> memref<52428800xi32, #tpu.memory_space<hbm>>
    tpu.enqueue_indirect_dma source(%dma_start3A_10 : memref<52428800xi32, #tpu.memory_space<hbm>>) target(%dma_start3A : memref<128xi32, #tpu.memory_space<vmem>>) offsets(%dma_start3A_8 : memref<128xi32, #tpu.memory_space<vmem>>) semaphore(%arg11 : memref<!tpu.dma_semaphore, #tpu.memory_space<semaphore_mem>>)
    %multiple_of3A_11 = arith.constant 128 : i32
    %multiple_of3A_12 = tpu.assume_multiple %multiple_of3A_11, 128 : i32
    %dma_start3A_13 = tpu.memref_slice %arg9[%multiple_of3A_12] : memref<10000xi32, #tpu.memory_space<vmem>> -> memref<128xi32, #tpu.memory_space<vmem>>
    %dma_start3A_14 = tpu.memref_slice %arg8[%multiple_of3A_12] : memref<10000xi32, #tpu.memory_space<vmem>> -> memref<128xi32, #tpu.memory_space<vmem>>
    %dma_start3A_15 = arith.constant 0 : i32
    %dma_start3A_16 = tpu.memref_slice %arg2[%dma_start3A_15] : memref<52428800xi32, #tpu.memory_space<hbm>> -> memref<52428800xi32, #tpu.memory_space<hbm>>
    tpu.enqueue_indirect_dma source(%dma_start3A_16 : memref<52428800xi32, #tpu.memory_space<hbm>>) target(%dma_start3A_13 : memref<128xi32, #tpu.memory_space<vmem>>) offsets(%dma_start3A_14 : memref<128xi32, #tpu.memory_space<vmem>>) semaphore(%arg12 : memref<!tpu.dma_semaphore, #tpu.memory_space<semaphore_mem>>)
    %scan3A_17 = arith.constant 0 : i32
    %scan3A_18 = arith.constant 39 : i32
    %scan3A_19 = arith.addi %scan3A_17, %scan3A_18 : i32
    %scan3A_20 = arith.constant 1 : i32
    scf.for %scan3A_39 = %scan3A_17 to %scan3A_19 step %scan3A_20  : i32 {
      %mul3A_40 = arith.constant 2 : i32
      %mul3A_41 = arith.muli %mul3A_40, %scan3A_39 : i32
      %add3A_42 = arith.constant 0 : i32
      %add3A_43 = arith.addi %mul3A_41, %add3A_42 : i32
      %dma_wait3A = arith.constant 0 : i32
      %dma_wait3A_44 = tpu.memref_slice %arg9[%dma_wait3A] : memref<10000xi32, #tpu.memory_space<vmem>> -> memref<128xi32, #tpu.memory_space<vmem>>
      %dma_wait3A_45 = arith.constant 0 : i32
      %dma_wait3A_46 = tpu.memref_slice %arg2[%dma_wait3A_45] : memref<52428800xi32, #tpu.memory_space<hbm>> -> memref<128xi32, #tpu.memory_space<hbm>>
      %dma_wait3A_47 = arith.constant 0 : i32
      %dma_wait3A_48 = tpu.memref_slice %arg9[%dma_wait3A_47] : memref<10000xi32, #tpu.memory_space<vmem>> -> memref<128xi32, #tpu.memory_space<vmem>>
      %dma_wait3A_49 = arith.constant 0 : i32
      %dma_wait3A_50 = tpu.memref_slice %arg2[%dma_wait3A_49] : memref<52428800xi32, #tpu.memory_space<hbm>> -> memref<128xi32, #tpu.memory_space<hbm>>
      tpu.wait_dma2 semaphore(%arg11 : memref<!tpu.dma_semaphore, #tpu.memory_space<semaphore_mem>>) src(%dma_wait3A_50 : memref<128xi32, #tpu.memory_space<hbm>>) dst(%dma_wait3A_48 : memref<128xi32, #tpu.memory_space<vmem>>)
      %mul3A_51 = arith.constant 128 : i32
      %mul3A_52 = arith.muli %add3A_43, %mul3A_51 : i32
      %multiple_of3A_53 = tpu.assume_multiple %mul3A_52, 128 : i32
      %add3A_54 = arith.constant 0 : i32
      %add3A_55 = arith.addi %multiple_of3A_53, %add3A_54 : i32
      %multiple_of3A_56 = tpu.assume_multiple %add3A_55, 16 : i32
      %get3A_57 = arith.index_cast %multiple_of3A_56 : i32 to index
      %get3A_58 = tpu.vector_load %arg9[%get3A_57] {strides = array<i32>} : memref<10000xi32, #tpu.memory_space<vmem>>, vector<16xi32>,
      %get3A_59 = arith.index_cast %multiple_of3A_56 : i32 to index
      %get3A_60 = tpu.vector_load %arg7[%get3A_59] {strides = array<i32>} : memref<10000xi32, #tpu.memory_space<vmem>>, vector<16xi32>,
      %ge3A_61 = arith.constant 5120 : i32
      %ge3A_62 = vector.broadcast %ge3A_61 : i32 to vector<16xi32>
      %ge3A_63 = arith.cmpi sge, %get3A_60, %ge3A_62 : vector<16xi32>
      %and3A_64 = arith.constant -65536 : i32
      %and3A_65 = vector.broadcast %and3A_64 : i32 to vector<16xi32>
      %and3A_66 = arith.andi %get3A_58, %and3A_65 : vector<16xi32>
      %shift_left3A_67 = arith.constant 16 : i32
      %shift_left3A_68 = vector.broadcast %shift_left3A_67 : i32 to vector<16xi32>
      %shift_left3A_69 = arith.shli %get3A_58, %shift_left3A_68 : vector<16xi32>
      %select_n3A_70 = arith.select %ge3A_63, %and3A_66, %shift_left3A_69 : vector<16xi1>, vector<16xi32>
      %bitcast_convert_type3A_71 = tpu.bitcast %select_n3A_70 : vector<16xi32> -> vector<16xf32>
      %sub3A_72 = arith.constant 1.000000e+00 : f32
      %sub3A_73 = vector.broadcast %sub3A_72 : f32 to vector<16xf32>
      %sub3A_74 = arith.subf %bitcast_convert_type3A_71, %sub3A_73 : vector<16xf32>
      %exp3A_75 = math.exp %sub3A_74 : vector<16xf32>
      %swap3A_76 = arith.index_cast %multiple_of3A_56 : i32 to index
      %swap3A_77 = tpu.vector_load %arg10[%swap3A_76] {strides = array<i32>} : memref<10000xf32, #tpu.memory_space<vmem>>, vector<16xf32>,
      tpu.vector_store %arg10[%swap3A_76], %exp3A_75 {strides = array<i32>} : memref<10000xf32, #tpu.memory_space<vmem>>, vector<16xf32>,
      %add3A_78 = arith.constant 16 : i32
      %add3A_79 = arith.addi %multiple_of3A_53, %add3A_78 : i32
      %multiple_of3A_80 = tpu.assume_multiple %add3A_79, 16 : i32
      %get3A_81 = arith.index_cast %multiple_of3A_80 : i32 to index
      %get3A_82 = tpu.vector_load %arg9[%get3A_81] {strides = array<i32>} : memref<10000xi32, #tpu.memory_space<vmem>>, vector<16xi32>,
      %get3A_83 = arith.index_cast %multiple_of3A_80 : i32 to index
      %get3A_84 = tpu.vector_load %arg7[%get3A_83] {strides = array<i32>} : memref<10000xi32, #tpu.memory_space<vmem>>, vector<16xi32>,
      %ge3A_85 = arith.constant 5120 : i32
      %ge3A_86 = vector.broadcast %ge3A_85 : i32 to vector<16xi32>
      %ge3A_87 = arith.cmpi sge, %get3A_84, %ge3A_86 : vector<16xi32>
      %and3A_88 = arith.constant -65536 : i32
      %and3A_89 = vector.broadcast %and3A_88 : i32 to vector<16xi32>
      %and3A_90 = arith.andi %get3A_82, %and3A_89 : vector<16xi32>
      %shift_left3A_91 = arith.constant 16 : i32
      %shift_left3A_92 = vector.broadcast %shift_left3A_91 : i32 to vector<16xi32>
      %shift_left3A_93 = arith.shli %get3A_82, %shift_left3A_92 : vector<16xi32>
      %select_n3A_94 = arith.select %ge3A_87, %and3A_90, %shift_left3A_93 : vector<16xi1>, vector<16xi32>
      %bitcast_convert_type3A_95 = tpu.bitcast %select_n3A_94 : vector<16xi32> -> vector<16xf32>
      %sub3A_96 = arith.constant 1.000000e+00 : f32
      %sub3A_97 = vector.broadcast %sub3A_96 : f32 to vector<16xf32>
      %sub3A_98 = arith.subf %bitcast_convert_type3A_95, %sub3A_97 : vector<16xf32>
      %exp3A_99 = math.exp %sub3A_98 : vector<16xf32>
      %swap3A_100 = arith.index_cast %multiple_of3A_80 : i32 to index
      %swap3A_101 = tpu.vector_load %arg10[%swap3A_100] {strides = array<i32>} : memref<10000xf32, #tpu.memory_space<vmem>>, vector<16xf32>,
      tpu.vector_store %arg10[%swap3A_100], %exp3A_99 {strides = array<i32>} : memref<10000xf32, #tpu.memory_space<vmem>>, vector<16xf32>,
      %add3A_102 = arith.constant 32 : i32
      %add3A_103 = arith.addi %multiple_of3A_53, %add3A_102 : i32
      %multiple_of3A_104 = tpu.assume_multiple %add3A_103, 16 : i32
      %get3A_105 = arith.index_cast %multiple_of3A_104 : i32 to index
      %get3A_106 = tpu.vector_load %arg9[%get3A_105] {strides = array<i32>} : memref<10000xi32, #tpu.memory_space<vmem>>, vector<16xi32>,
      %get3A_107 = arith.index_cast %multiple_of3A_104 : i32 to index
      %get3A_108 = tpu.vector_load %arg7[%get3A_107] {strides = array<i32>} : memref<10000xi32, #tpu.memory_space<vmem>>, vector<16xi32>,
      %ge3A_109 = arith.constant 5120 : i32
      %ge3A_110 = vector.broadcast %ge3A_109 : i32 to vector<16xi32>
      %ge3A_111 = arith.cmpi sge, %get3A_108, %ge3A_110 : vector<16xi32>
      %and3A_112 = arith.constant -65536 : i32
      %and3A_113 = vector.broadcast %and3A_112 : i32 to vector<16xi32>
      %and3A_114 = arith.andi %get3A_106, %and3A_113 : vector<16xi32>
      %shift_left3A_115 = arith.constant 16 : i32
      %shift_left3A_116 = vector.broadcast %shift_left3A_115 : i32 to vector<16xi32>
      %shift_left3A_117 = arith.shli %get3A_106, %shift_left3A_116 : vector<16xi32>
      %select_n3A_118 = arith.select %ge3A_111, %and3A_114, %shift_left3A_117 : vector<16xi1>, vector<16xi32>
      %bitcast_convert_type3A_119 = tpu.bitcast %select_n3A_118 : vector<16xi32> -> vector<16xf32>
      %sub3A_120 = arith.constant 1.000000e+00 : f32
      %sub3A_121 = vector.broadcast %sub3A_120 : f32 to vector<16xf32>
      %sub3A_122 = arith.subf %bitcast_convert_type3A_119, %sub3A_121 : vector<16xf32>
      %exp3A_123 = math.exp %sub3A_122 : vector<16xf32>
      %swap3A_124 = arith.index_cast %multiple_of3A_104 : i32 to index
      %swap3A_125 = tpu.vector_load %arg10[%swap3A_124] {strides = array<i32>} : memref<10000xf32, #tpu.memory_space<vmem>>, vector<16xf32>,
      tpu.vector_store %arg10[%swap3A_124], %exp3A_123 {strides = array<i32>} : memref<10000xf32, #tpu.memory_space<vmem>>, vector<16xf32>,
      %add3A_126 = arith.constant 48 : i32
      %add3A_127 = arith.addi %multiple_of3A_53, %add3A_126 : i32
      %multiple_of3A_128 = tpu.assume_multiple %add3A_127, 16 : i32
      %get3A_129 = arith.index_cast %multiple_of3A_128 : i32 to index
      %get3A_130 = tpu.vector_load %arg9[%get3A_129] {strides = array<i32>} : memref<10000xi32, #tpu.memory_space<vmem>>, vector<16xi32>,
      %get3A_131 = arith.index_cast %multiple_of3A_128 : i32 to index
      %get3A_132 = tpu.vector_load %arg7[%get3A_131] {strides = array<i32>} : memref<10000xi32, #tpu.memory_space<vmem>>, vector<16xi32>,
      %ge3A_133 = arith.constant 5120 : i32
      %ge3A_134 = vector.broadcast %ge3A_133 : i32 to vector<16xi32>
      %ge3A_135 = arith.cmpi sge, %get3A_132, %ge3A_134 : vector<16xi32>
      %and3A_136 = arith.constant -65536 : i32
      %and3A_137 = vector.broadcast %and3A_136 : i32 to vector<16xi32>
      %and3A_138 = arith.andi %get3A_130, %and3A_137 : vector<16xi32>
      %shift_left3A_139 = arith.constant 16 : i32
      %shift_left3A_140 = vector.broadcast %shift_left3A_139 : i32 to vector<16xi32>
      %shift_left3A_141 = arith.shli %get3A_130, %shift_left3A_140 : vector<16xi32>
      %select_n3A_142 = arith.select %ge3A_135, %and3A_138, %shift_left3A_141 : vector<16xi1>, vector<16xi32>
      %bitcast_convert_type3A_143 = tpu.bitcast %select_n3A_142 : vector<16xi32> -> vector<16xf32>
      %sub3A_144 = arith.constant 1.000000e+00 : f32
      %sub3A_145 = vector.broadcast %sub3A_144 : f32 to vector<16xf32>
      %sub3A_146 = arith.subf %bitcast_convert_type3A_143, %sub3A_145 : vector<16xf32>
      %exp3A_147 = math.exp %sub3A_146 : vector<16xf32>
      %swap3A_148 = arith.index_cast %multiple_of3A_128 : i32 to index
      %swap3A_149 = tpu.vector_load %arg10[%swap3A_148] {strides = array<i32>} : memref<10000xf32, #tpu.memory_space<vmem>>, vector<16xf32>,
      tpu.vector_store %arg10[%swap3A_148], %exp3A_147 {strides = array<i32>} : memref<10000xf32, #tpu.memory_space<vmem>>, vector<16xf32>,
      %add3A_150 = arith.constant 64 : i32
      %add3A_151 = arith.addi %multiple_of3A_53, %add3A_150 : i32
      %multiple_of3A_152 = tpu.assume_multiple %add3A_151, 16 : i32
      %get3A_153 = arith.index_cast %multiple_of3A_152 : i32 to index
      %get3A_154 = tpu.vector_load %arg9[%get3A_153] {strides = array<i32>} : memref<10000xi32, #tpu.memory_space<vmem>>, vector<16xi32>,
      %get3A_155 = arith.index_cast %multiple_of3A_152 : i32 to index
      %get3A_156 = tpu.vector_load %arg7[%get3A_155] {strides = array<i32>} : memref<10000xi32, #tpu.memory_space<vmem>>, vector<16xi32>,
      %ge3A_157 = arith.constant 5120 : i32
      %ge3A_158 = vector.broadcast %ge3A_157 : i32 to vector<16xi32>
      %ge3A_159 = arith.cmpi sge, %get3A_156, %ge3A_158 : vector<16xi32>
      %and3A_160 = arith.constant -65536 : i32
      %and3A_161 = vector.broadcast %and3A_160 : i32 to vector<16xi32>
      %and3A_162 = arith.andi %get3A_154, %and3A_161 : vector<16xi32>
      %shift_left3A_163 = arith.constant 16 : i32
      %shift_left3A_164 = vector.broadcast %shift_left3A_163 : i32 to vector<16xi32>
      %shift_left3A_165 = arith.shli %get3A_154, %shift_left3A_164 : vector<16xi32>
      %select_n3A_166 = arith.select %ge3A_159, %and3A_162, %shift_left3A_165 : vector<16xi1>, vector<16xi32>
      %bitcast_convert_type3A_167 = tpu.bitcast %select_n3A_166 : vector<16xi32> -> vector<16xf32>
      %sub3A_168 = arith.constant 1.000000e+00 : f32
      %sub3A_169 = vector.broadcast %sub3A_168 : f32 to vector<16xf32>
      %sub3A_170 = arith.subf %bitcast_convert_type3A_167, %sub3A_169 : vector<16xf32>
      %exp3A_171 = math.exp %sub3A_170 : vector<16xf32>
      %swap3A_172 = arith.index_cast %multiple_of3A_152 : i32 to index
      %swap3A_173 = tpu.vector_load %arg10[%swap3A_172] {strides = array<i32>} : memref<10000xf32, #tpu.memory_space<vmem>>, vector<16xf32>,
      tpu.vector_store %arg10[%swap3A_172], %exp3A_171 {strides = array<i32>} : memref<10000xf32, #tpu.memory_space<vmem>>, vector<16xf32>,
      %add3A_174 = arith.constant 80 : i32
      %add3A_175 = arith.addi %multiple_of3A_53, %add3A_174 : i32
      %multiple_of3A_176 = tpu.assume_multiple %add3A_175, 16 : i32
      %get3A_177 = arith.index_cast %multiple_of3A_176 : i32 to index
      %get3A_178 = tpu.vector_load %arg9[%get3A_177] {strides = array<i32>} : memref<10000xi32, #tpu.memory_space<vmem>>, vector<16xi32>,
      %get3A_179 = arith.index_cast %multiple_of3A_176 : i32 to index
      %get3A_180 = tpu.vector_load %arg7[%get3A_179] {strides = array<i32>} : memref<10000xi32, #tpu.memory_space<vmem>>, vector<16xi32>,
      %ge3A_181 = arith.constant 5120 : i32
      %ge3A_182 = vector.broadcast %ge3A_181 : i32 to vector<16xi32>
      %ge3A_183 = arith.cmpi sge, %get3A_180, %ge3A_182 : vector<16xi32>
      %and3A_184 = arith.constant -65536 : i32
      %and3A_185 = vector.broadcast %and3A_184 : i32 to vector<16xi32>
      %and3A_186 = arith.andi %get3A_178, %and3A_185 : vector<16xi32>
      %shift_left3A_187 = arith.constant 16 : i32
      %shift_left3A_188 = vector.broadcast %shift_left3A_187 : i32 to vector<16xi32>
      %shift_left3A_189 = arith.shli %get3A_178, %shift_left3A_188 : vector<16xi32>
      %select_n3A_190 = arith.select %ge3A_183, %and3A_186, %shift_left3A_189 : vector<16xi1>, vector<16xi32>
      %bitcast_convert_type3A_191 = tpu.bitcast %select_n3A_190 : vector<16xi32> -> vector<16xf32>
      %sub3A_192 = arith.constant 1.000000e+00 : f32
      %sub3A_193 = vector.broadcast %sub3A_192 : f32 to vector<16xf32>
      %sub3A_194 = arith.subf %bitcast_convert_type3A_191, %sub3A_193 : vector<16xf32>
      %exp3A_195 = math.exp %sub3A_194 : vector<16xf32>
      %swap3A_196 = arith.index_cast %multiple_of3A_176 : i32 to index
      %swap3A_197 = tpu.vector_load %arg10[%swap3A_196] {strides = array<i32>} : memref<10000xf32, #tpu.memory_space<vmem>>, vector<16xf32>,
      tpu.vector_store %arg10[%swap3A_196], %exp3A_195 {strides = array<i32>} : memref<10000xf32, #tpu.memory_space<vmem>>, vector<16xf32>,
      %add3A_198 = arith.constant 96 : i32
      %add3A_199 = arith.addi %multiple_of3A_53, %add3A_198 : i32
      %multiple_of3A_200 = tpu.assume_multiple %add3A_199, 16 : i32
      %get3A_201 = arith.index_cast %multiple_of3A_200 : i32 to index
      %get3A_202 = tpu.vector_load %arg9[%get3A_201] {strides = array<i32>} : memref<10000xi32, #tpu.memory_space<vmem>>, vector<16xi32>,
      %get3A_203 = arith.index_cast %multiple_of3A_200 : i32 to index
      %get3A_204 = tpu.vector_load %arg7[%get3A_203] {strides = array<i32>} : memref<10000xi32, #tpu.memory_space<vmem>>, vector<16xi32>,
      %ge3A_205 = arith.constant 5120 : i32
      %ge3A_206 = vector.broadcast %ge3A_205 : i32 to vector<16xi32>
      %ge3A_207 = arith.cmpi sge, %get3A_204, %ge3A_206 : vector<16xi32>
      %and3A_208 = arith.constant -65536 : i32
      %and3A_209 = vector.broadcast %and3A_208 : i32 to vector<16xi32>
      %and3A_210 = arith.andi %get3A_202, %and3A_209 : vector<16xi32>
      %shift_left3A_211 = arith.constant 16 : i32
      %shift_left3A_212 = vector.broadcast %shift_left3A_211 : i32 to vector<16xi32>
      %shift_left3A_213 = arith.shli %get3A_202, %shift_left3A_212 : vector<16xi32>
      %select_n3A_214 = arith.select %ge3A_207, %and3A_210, %shift_left3A_213 : vector<16xi1>, vector<16xi32>
      %bitcast_convert_type3A_215 = tpu.bitcast %select_n3A_214 : vector<16xi32> -> vector<16xf32>
      %sub3A_216 = arith.constant 1.000000e+00 : f32
      %sub3A_217 = vector.broadcast %sub3A_216 : f32 to vector<16xf32>
      %sub3A_218 = arith.subf %bitcast_convert_type3A_215, %sub3A_217 : vector<16xf32>
      %exp3A_219 = math.exp %sub3A_218 : vector<16xf32>
      %swap3A_220 = arith.index_cast %multiple_of3A_200 : i32 to index
      %swap3A_221 = tpu.vector_load %arg10[%swap3A_220] {strides = array<i32>} : memref<10000xf32, #tpu.memory_space<vmem>>, vector<16xf32>,
      tpu.vector_store %arg10[%swap3A_220], %exp3A_219 {strides = array<i32>} : memref<10000xf32, #tpu.memory_space<vmem>>, vector<16xf32>,
      %add3A_222 = arith.constant 112 : i32
      %add3A_223 = arith.addi %multiple_of3A_53, %add3A_222 : i32
      %multiple_of3A_224 = tpu.assume_multiple %add3A_223, 16 : i32
      %get3A_225 = arith.index_cast %multiple_of3A_224 : i32 to index
      %get3A_226 = tpu.vector_load %arg9[%get3A_225] {strides = array<i32>} : memref<10000xi32, #tpu.memory_space<vmem>>, vector<16xi32>,
      %get3A_227 = arith.index_cast %multiple_of3A_224 : i32 to index
      %get3A_228 = tpu.vector_load %arg7[%get3A_227] {strides = array<i32>} : memref<10000xi32, #tpu.memory_space<vmem>>, vector<16xi32>,
      %ge3A_229 = arith.constant 5120 : i32
      %ge3A_230 = vector.broadcast %ge3A_229 : i32 to vector<16xi32>
      %ge3A_231 = arith.cmpi sge, %get3A_228, %ge3A_230 : vector<16xi32>
      %and3A_232 = arith.constant -65536 : i32
      %and3A_233 = vector.broadcast %and3A_232 : i32 to vector<16xi32>
      %and3A_234 = arith.andi %get3A_226, %and3A_233 : vector<16xi32>
      %shift_left3A_235 = arith.constant 16 : i32
      %shift_left3A_236 = vector.broadcast %shift_left3A_235 : i32 to vector<16xi32>
      %shift_left3A_237 = arith.shli %get3A_226, %shift_left3A_236 : vector<16xi32>
      %select_n3A_238 = arith.select %ge3A_231, %and3A_234, %shift_left3A_237 : vector<16xi1>, vector<16xi32>
      %bitcast_convert_type3A_239 = tpu.bitcast %select_n3A_238 : vector<16xi32> -> vector<16xf32>
      %sub3A_240 = arith.constant 1.000000e+00 : f32
      %sub3A_241 = vector.broadcast %sub3A_240 : f32 to vector<16xf32>
      %sub3A_242 = arith.subf %bitcast_convert_type3A_239, %sub3A_241 : vector<16xf32>
      %exp3A_243 = math.exp %sub3A_242 : vector<16xf32>
      %swap3A_244 = arith.index_cast %multiple_of3A_224 : i32 to index
      %swap3A_245 = tpu.vector_load %arg10[%swap3A_244] {strides = array<i32>} : memref<10000xf32, #tpu.memory_space<vmem>>, vector<16xf32>,
      tpu.vector_store %arg10[%swap3A_244], %exp3A_243 {strides = array<i32>} : memref<10000xf32, #tpu.memory_space<vmem>>, vector<16xf32>,
      %add3A_246 = arith.constant 2 : i32
      %add3A_247 = arith.addi %add3A_43, %add3A_246 : i32
      %lt3A = arith.constant 78 : i32
      %lt3A_248 = arith.cmpi slt, %add3A_247, %lt3A : i32
      %convert_element_type3A = arith.extui %lt3A_248 : i1 to i32
      %cond3A = arith.constant 0 : i32
      %cond3A_249 = arith.cmpi ne, %convert_element_type3A, %cond3A : i32
      scf.if %cond3A_249 {
        %add3A_464 = arith.constant 2 : i32
        %add3A_465 = arith.addi %add3A_43, %add3A_464 : i32
        %mul3A_466 = arith.constant 128 : i32
        %mul3A_467 = arith.muli %add3A_465, %mul3A_466 : i32
        %multiple_of3A_468 = tpu.assume_multiple %mul3A_467, 128 : i32
        %dma_start3A_469 = tpu.memref_slice %arg9[%multiple_of3A_468] : memref<10000xi32, #tpu.memory_space<vmem>> -> memref<128xi32, #tpu.memory_space<vmem>>
        %dma_start3A_470 = tpu.memref_slice %arg8[%multiple_of3A_468] : memref<10000xi32, #tpu.memory_space<vmem>> -> memref<128xi32, #tpu.memory_space<vmem>>
        %dma_start3A_471 = arith.constant 0 : i32
        %dma_start3A_472 = tpu.memref_slice %arg2[%dma_start3A_471] : memref<52428800xi32, #tpu.memory_space<hbm>> -> memref<52428800xi32, #tpu.memory_space<hbm>>
        tpu.enqueue_indirect_dma source(%dma_start3A_472 : memref<52428800xi32, #tpu.memory_space<hbm>>) target(%dma_start3A_469 : memref<128xi32, #tpu.memory_space<vmem>>) offsets(%dma_start3A_470 : memref<128xi32, #tpu.memory_space<vmem>>) semaphore(%arg11 : memref<!tpu.dma_semaphore, #tpu.memory_space<semaphore_mem>>)
      } else {
      }
      %mul3A_250 = arith.constant 2 : i32
      %mul3A_251 = arith.muli %mul3A_250, %scan3A_39 : i32
      %add3A_252 = arith.constant 1 : i32
      %add3A_253 = arith.addi %mul3A_251, %add3A_252 : i32
      %dma_wait3A_254 = arith.constant 0 : i32
      %dma_wait3A_255 = tpu.memref_slice %arg9[%dma_wait3A_254] : memref<10000xi32, #tpu.memory_space<vmem>> -> memref<128xi32, #tpu.memory_space<vmem>>
      %dma_wait3A_256 = arith.constant 0 : i32
      %dma_wait3A_257 = tpu.memref_slice %arg2[%dma_wait3A_256] : memref<52428800xi32, #tpu.memory_space<hbm>> -> memref<128xi32, #tpu.memory_space<hbm>>
      %dma_wait3A_258 = arith.constant 0 : i32
      %dma_wait3A_259 = tpu.memref_slice %arg9[%dma_wait3A_258] : memref<10000xi32, #tpu.memory_space<vmem>> -> memref<128xi32, #tpu.memory_space<vmem>>
      %dma_wait3A_260 = arith.constant 0 : i32
      %dma_wait3A_261 = tpu.memref_slice %arg2[%dma_wait3A_260] : memref<52428800xi32, #tpu.memory_space<hbm>> -> memref<128xi32, #tpu.memory_space<hbm>>
      tpu.wait_dma2 semaphore(%arg12 : memref<!tpu.dma_semaphore, #tpu.memory_space<semaphore_mem>>) src(%dma_wait3A_261 : memref<128xi32, #tpu.memory_space<hbm>>) dst(%dma_wait3A_259 : memref<128xi32, #tpu.memory_space<vmem>>)
      %mul3A_262 = arith.constant 128 : i32
      %mul3A_263 = arith.muli %add3A_253, %mul3A_262 : i32
      %multiple_of3A_264 = tpu.assume_multiple %mul3A_263, 128 : i32
      %add3A_265 = arith.constant 0 : i32
      %add3A_266 = arith.addi %multiple_of3A_264, %add3A_265 : i32
      %multiple_of3A_267 = tpu.assume_multiple %add3A_266, 16 : i32
      %get3A_268 = arith.index_cast %multiple_of3A_267 : i32 to index
      %get3A_269 = tpu.vector_load %arg9[%get3A_268] {strides = array<i32>} : memref<10000xi32, #tpu.memory_space<vmem>>, vector<16xi32>,
      %get3A_270 = arith.index_cast %multiple_of3A_267 : i32 to index
      %get3A_271 = tpu.vector_load %arg7[%get3A_270] {strides = array<i32>} : memref<10000xi32, #tpu.memory_space<vmem>>, vector<16xi32>,
      %ge3A_272 = arith.constant 5120 : i32
      %ge3A_273 = vector.broadcast %ge3A_272 : i32 to vector<16xi32>
      %ge3A_274 = arith.cmpi sge, %get3A_271, %ge3A_273 : vector<16xi32>
      %and3A_275 = arith.constant -65536 : i32
      %and3A_276 = vector.broadcast %and3A_275 : i32 to vector<16xi32>
      %and3A_277 = arith.andi %get3A_269, %and3A_276 : vector<16xi32>
      %shift_left3A_278 = arith.constant 16 : i32
      %shift_left3A_279 = vector.broadcast %shift_left3A_278 : i32 to vector<16xi32>
      %shift_left3A_280 = arith.shli %get3A_269, %shift_left3A_279 : vector<16xi32>
      %select_n3A_281 = arith.select %ge3A_274, %and3A_277, %shift_left3A_280 : vector<16xi1>, vector<16xi32>
      %bitcast_convert_type3A_282 = tpu.bitcast %select_n3A_281 : vector<16xi32> -> vector<16xf32>
      %sub3A_283 = arith.constant 1.000000e+00 : f32
      %sub3A_284 = vector.broadcast %sub3A_283 : f32 to vector<16xf32>
      %sub3A_285 = arith.subf %bitcast_convert_type3A_282, %sub3A_284 : vector<16xf32>
      %exp3A_286 = math.exp %sub3A_285 : vector<16xf32>
      %swap3A_287 = arith.index_cast %multiple_of3A_267 : i32 to index
      %swap3A_288 = tpu.vector_load %arg10[%swap3A_287] {strides = array<i32>} : memref<10000xf32, #tpu.memory_space<vmem>>, vector<16xf32>,
      tpu.vector_store %arg10[%swap3A_287], %exp3A_286 {strides = array<i32>} : memref<10000xf32, #tpu.memory_space<vmem>>, vector<16xf32>,
      %add3A_289 = arith.constant 16 : i32
      %add3A_290 = arith.addi %multiple_of3A_264, %add3A_289 : i32
      %multiple_of3A_291 = tpu.assume_multiple %add3A_290, 16 : i32
      %get3A_292 = arith.index_cast %multiple_of3A_291 : i32 to index
      %get3A_293 = tpu.vector_load %arg9[%get3A_292] {strides = array<i32>} : memref<10000xi32, #tpu.memory_space<vmem>>, vector<16xi32>,
      %get3A_294 = arith.index_cast %multiple_of3A_291 : i32 to index
      %get3A_295 = tpu.vector_load %arg7[%get3A_294] {strides = array<i32>} : memref<10000xi32, #tpu.memory_space<vmem>>, vector<16xi32>,
      %ge3A_296 = arith.constant 5120 : i32
      %ge3A_297 = vector.broadcast %ge3A_296 : i32 to vector<16xi32>
      %ge3A_298 = arith.cmpi sge, %get3A_295, %ge3A_297 : vector<16xi32>
      %and3A_299 = arith.constant -65536 : i32
      %and3A_300 = vector.broadcast %and3A_299 : i32 to vector<16xi32>
      %and3A_301 = arith.andi %get3A_293, %and3A_300 : vector<16xi32>
      %shift_left3A_302 = arith.constant 16 : i32
      %shift_left3A_303 = vector.broadcast %shift_left3A_302 : i32 to vector<16xi32>
      %shift_left3A_304 = arith.shli %get3A_293, %shift_left3A_303 : vector<16xi32>
      %select_n3A_305 = arith.select %ge3A_298, %and3A_301, %shift_left3A_304 : vector<16xi1>, vector<16xi32>
      %bitcast_convert_type3A_306 = tpu.bitcast %select_n3A_305 : vector<16xi32> -> vector<16xf32>
      %sub3A_307 = arith.constant 1.000000e+00 : f32
      %sub3A_308 = vector.broadcast %sub3A_307 : f32 to vector<16xf32>
      %sub3A_309 = arith.subf %bitcast_convert_type3A_306, %sub3A_308 : vector<16xf32>
      %exp3A_310 = math.exp %sub3A_309 : vector<16xf32>
      %swap3A_311 = arith.index_cast %multiple_of3A_291 : i32 to index
      %swap3A_312 = tpu.vector_load %arg10[%swap3A_311] {strides = array<i32>} : memref<10000xf32, #tpu.memory_space<vmem>>, vector<16xf32>,
      tpu.vector_store %arg10[%swap3A_311], %exp3A_310 {strides = array<i32>} : memref<10000xf32, #tpu.memory_space<vmem>>, vector<16xf32>,
      %add3A_313 = arith.constant 32 : i32
      %add3A_314 = arith.addi %multiple_of3A_264, %add3A_313 : i32
      %multiple_of3A_315 = tpu.assume_multiple %add3A_314, 16 : i32
      %get3A_316 = arith.index_cast %multiple_of3A_315 : i32 to index
      %get3A_317 = tpu.vector_load %arg9[%get3A_316] {strides = array<i32>} : memref<10000xi32, #tpu.memory_space<vmem>>, vector<16xi32>,
      %get3A_318 = arith.index_cast %multiple_of3A_315 : i32 to index
      %get3A_319 = tpu.vector_load %arg7[%get3A_318] {strides = array<i32>} : memref<10000xi32, #tpu.memory_space<vmem>>, vector<16xi32>,
      %ge3A_320 = arith.constant 5120 : i32
      %ge3A_321 = vector.broadcast %ge3A_320 : i32 to vector<16xi32>
      %ge3A_322 = arith.cmpi sge, %get3A_319, %ge3A_321 : vector<16xi32>
      %and3A_323 = arith.constant -65536 : i32
      %and3A_324 = vector.broadcast %and3A_323 : i32 to vector<16xi32>
      %and3A_325 = arith.andi %get3A_317, %and3A_324 : vector<16xi32>
      %shift_left3A_326 = arith.constant 16 : i32
      %shift_left3A_327 = vector.broadcast %shift_left3A_326 : i32 to vector<16xi32>
      %shift_left3A_328 = arith.shli %get3A_317, %shift_left3A_327 : vector<16xi32>
      %select_n3A_329 = arith.select %ge3A_322, %and3A_325, %shift_left3A_328 : vector<16xi1>, vector<16xi32>
      %bitcast_convert_type3A_330 = tpu.bitcast %select_n3A_329 : vector<16xi32> -> vector<16xf32>
      %sub3A_331 = arith.constant 1.000000e+00 : f32
      %sub3A_332 = vector.broadcast %sub3A_331 : f32 to vector<16xf32>
      %sub3A_333 = arith.subf %bitcast_convert_type3A_330, %sub3A_332 : vector<16xf32>
      %exp3A_334 = math.exp %sub3A_333 : vector<16xf32>
      %swap3A_335 = arith.index_cast %multiple_of3A_315 : i32 to index
      %swap3A_336 = tpu.vector_load %arg10[%swap3A_335] {strides = array<i32>} : memref<10000xf32, #tpu.memory_space<vmem>>, vector<16xf32>,
      tpu.vector_store %arg10[%swap3A_335], %exp3A_334 {strides = array<i32>} : memref<10000xf32, #tpu.memory_space<vmem>>, vector<16xf32>,
      %add3A_337 = arith.constant 48 : i32
      %add3A_338 = arith.addi %multiple_of3A_264, %add3A_337 : i32
      %multiple_of3A_339 = tpu.assume_multiple %add3A_338, 16 : i32
      %get3A_340 = arith.index_cast %multiple_of3A_339 : i32 to index
      %get3A_341 = tpu.vector_load %arg9[%get3A_340] {strides = array<i32>} : memref<10000xi32, #tpu.memory_space<vmem>>, vector<16xi32>,
      %get3A_342 = arith.index_cast %multiple_of3A_339 : i32 to index
      %get3A_343 = tpu.vector_load %arg7[%get3A_342] {strides = array<i32>} : memref<10000xi32, #tpu.memory_space<vmem>>, vector<16xi32>,
      %ge3A_344 = arith.constant 5120 : i32
      %ge3A_345 = vector.broadcast %ge3A_344 : i32 to vector<16xi32>
      %ge3A_346 = arith.cmpi sge, %get3A_343, %ge3A_345 : vector<16xi32>
      %and3A_347 = arith.constant -65536 : i32
      %and3A_348 = vector.broadcast %and3A_347 : i32 to vector<16xi32>
      %and3A_349 = arith.andi %get3A_341, %and3A_348 : vector<16xi32>
      %shift_left3A_350 = arith.constant 16 : i32
      %shift_left3A_351 = vector.broadcast %shift_left3A_350 : i32 to vector<16xi32>
      %shift_left3A_352 = arith.shli %get3A_341, %shift_left3A_351 : vector<16xi32>
      %select_n3A_353 = arith.select %ge3A_346, %and3A_349, %shift_left3A_352 : vector<16xi1>, vector<16xi32>
      %bitcast_convert_type3A_354 = tpu.bitcast %select_n3A_353 : vector<16xi32> -> vector<16xf32>
      %sub3A_355 = arith.constant 1.000000e+00 : f32
      %sub3A_356 = vector.broadcast %sub3A_355 : f32 to vector<16xf32>
      %sub3A_357 = arith.subf %bitcast_convert_type3A_354, %sub3A_356 : vector<16xf32>
      %exp3A_358 = math.exp %sub3A_357 : vector<16xf32>
      %swap3A_359 = arith.index_cast %multiple_of3A_339 : i32 to index
      %swap3A_360 = tpu.vector_load %arg10[%swap3A_359] {strides = array<i32>} : memref<10000xf32, #tpu.memory_space<vmem>>, vector<16xf32>,
      tpu.vector_store %arg10[%swap3A_359], %exp3A_358 {strides = array<i32>} : memref<10000xf32, #tpu.memory_space<vmem>>, vector<16xf32>,
      %add3A_361 = arith.constant 64 : i32
      %add3A_362 = arith.addi %multiple_of3A_264, %add3A_361 : i32
      %multiple_of3A_363 = tpu.assume_multiple %add3A_362, 16 : i32
      %get3A_364 = arith.index_cast %multiple_of3A_363 : i32 to index
      %get3A_365 = tpu.vector_load %arg9[%get3A_364] {strides = array<i32>} : memref<10000xi32, #tpu.memory_space<vmem>>, vector<16xi32>,
      %get3A_366 = arith.index_cast %multiple_of3A_363 : i32 to index
      %get3A_367 = tpu.vector_load %arg7[%get3A_366] {strides = array<i32>} : memref<10000xi32, #tpu.memory_space<vmem>>, vector<16xi32>,
      %ge3A_368 = arith.constant 5120 : i32
      %ge3A_369 = vector.broadcast %ge3A_368 : i32 to vector<16xi32>
      %ge3A_370 = arith.cmpi sge, %get3A_367, %ge3A_369 : vector<16xi32>
      %and3A_371 = arith.constant -65536 : i32
      %and3A_372 = vector.broadcast %and3A_371 : i32 to vector<16xi32>
      %and3A_373 = arith.andi %get3A_365, %and3A_372 : vector<16xi32>
      %shift_left3A_374 = arith.constant 16 : i32
      %shift_left3A_375 = vector.broadcast %shift_left3A_374 : i32 to vector<16xi32>
      %shift_left3A_376 = arith.shli %get3A_365, %shift_left3A_375 : vector<16xi32>
      %select_n3A_377 = arith.select %ge3A_370, %and3A_373, %shift_left3A_376 : vector<16xi1>, vector<16xi32>
      %bitcast_convert_type3A_378 = tpu.bitcast %select_n3A_377 : vector<16xi32> -> vector<16xf32>
      %sub3A_379 = arith.constant 1.000000e+00 : f32
      %sub3A_380 = vector.broadcast %sub3A_379 : f32 to vector<16xf32>
      %sub3A_381 = arith.subf %bitcast_convert_type3A_378, %sub3A_380 : vector<16xf32>
      %exp3A_382 = math.exp %sub3A_381 : vector<16xf32>
      %swap3A_383 = arith.index_cast %multiple_of3A_363 : i32 to index
      %swap3A_384 = tpu.vector_load %arg10[%swap3A_383] {strides = array<i32>} : memref<10000xf32, #tpu.memory_space<vmem>>, vector<16xf32>,
      tpu.vector_store %arg10[%swap3A_383], %exp3A_382 {strides = array<i32>} : memref<10000xf32, #tpu.memory_space<vmem>>, vector<16xf32>,
      %add3A_385 = arith.constant 80 : i32
      %add3A_386 = arith.addi %multiple_of3A_264, %add3A_385 : i32
      %multiple_of3A_387 = tpu.assume_multiple %add3A_386, 16 : i32
      %get3A_388 = arith.index_cast %multiple_of3A_387 : i32 to index
      %get3A_389 = tpu.vector_load %arg9[%get3A_388] {strides = array<i32>} : memref<10000xi32, #tpu.memory_space<vmem>>, vector<16xi32>,
      %get3A_390 = arith.index_cast %multiple_of3A_387 : i32 to index
      %get3A_391 = tpu.vector_load %arg7[%get3A_390] {strides = array<i32>} : memref<10000xi32, #tpu.memory_space<vmem>>, vector<16xi32>,
      %ge3A_392 = arith.constant 5120 : i32
      %ge3A_393 = vector.broadcast %ge3A_392 : i32 to vector<16xi32>
      %ge3A_394 = arith.cmpi sge, %get3A_391, %ge3A_393 : vector<16xi32>
      %and3A_395 = arith.constant -65536 : i32
      %and3A_396 = vector.broadcast %and3A_395 : i32 to vector<16xi32>
      %and3A_397 = arith.andi %get3A_389, %and3A_396 : vector<16xi32>
      %shift_left3A_398 = arith.constant 16 : i32
      %shift_left3A_399 = vector.broadcast %shift_left3A_398 : i32 to vector<16xi32>
      %shift_left3A_400 = arith.shli %get3A_389, %shift_left3A_399 : vector<16xi32>
      %select_n3A_401 = arith.select %ge3A_394, %and3A_397, %shift_left3A_400 : vector<16xi1>, vector<16xi32>
      %bitcast_convert_type3A_402 = tpu.bitcast %select_n3A_401 : vector<16xi32> -> vector<16xf32>
      %sub3A_403 = arith.constant 1.000000e+00 : f32
      %sub3A_404 = vector.broadcast %sub3A_403 : f32 to vector<16xf32>
      %sub3A_405 = arith.subf %bitcast_convert_type3A_402, %sub3A_404 : vector<16xf32>
      %exp3A_406 = math.exp %sub3A_405 : vector<16xf32>
      %swap3A_407 = arith.index_cast %multiple_of3A_387 : i32 to index
      %swap3A_408 = tpu.vector_load %arg10[%swap3A_407] {strides = array<i32>} : memref<10000xf32, #tpu.memory_space<vmem>>, vector<16xf32>,
      tpu.vector_store %arg10[%swap3A_407], %exp3A_406 {strides = array<i32>} : memref<10000xf32, #tpu.memory_space<vmem>>, vector<16xf32>,
      %add3A_409 = arith.constant 96 : i32
      %add3A_410 = arith.addi %multiple_of3A_264, %add3A_409 : i32
      %multiple_of3A_411 = tpu.assume_multiple %add3A_410, 16 : i32
      %get3A_412 = arith.index_cast %multiple_of3A_411 : i32 to index
      %get3A_413 = tpu.vector_load %arg9[%get3A_412] {strides = array<i32>} : memref<10000xi32, #tpu.memory_space<vmem>>, vector<16xi32>,
      %get3A_414 = arith.index_cast %multiple_of3A_411 : i32 to index
      %get3A_415 = tpu.vector_load %arg7[%get3A_414] {strides = array<i32>} : memref<10000xi32, #tpu.memory_space<vmem>>, vector<16xi32>,
      %ge3A_416 = arith.constant 5120 : i32
      %ge3A_417 = vector.broadcast %ge3A_416 : i32 to vector<16xi32>
      %ge3A_418 = arith.cmpi sge, %get3A_415, %ge3A_417 : vector<16xi32>
      %and3A_419 = arith.constant -65536 : i32
      %and3A_420 = vector.broadcast %and3A_419 : i32 to vector<16xi32>
      %and3A_421 = arith.andi %get3A_413, %and3A_420 : vector<16xi32>
      %shift_left3A_422 = arith.constant 16 : i32
      %shift_left3A_423 = vector.broadcast %shift_left3A_422 : i32 to vector<16xi32>
      %shift_left3A_424 = arith.shli %get3A_413, %shift_left3A_423 : vector<16xi32>
      %select_n3A_425 = arith.select %ge3A_418, %and3A_421, %shift_left3A_424 : vector<16xi1>, vector<16xi32>
      %bitcast_convert_type3A_426 = tpu.bitcast %select_n3A_425 : vector<16xi32> -> vector<16xf32>
      %sub3A_427 = arith.constant 1.000000e+00 : f32
      %sub3A_428 = vector.broadcast %sub3A_427 : f32 to vector<16xf32>
      %sub3A_429 = arith.subf %bitcast_convert_type3A_426, %sub3A_428 : vector<16xf32>
      %exp3A_430 = math.exp %sub3A_429 : vector<16xf32>
      %swap3A_431 = arith.index_cast %multiple_of3A_411 : i32 to index
      %swap3A_432 = tpu.vector_load %arg10[%swap3A_431] {strides = array<i32>} : memref<10000xf32, #tpu.memory_space<vmem>>, vector<16xf32>,
      tpu.vector_store %arg10[%swap3A_431], %exp3A_430 {strides = array<i32>} : memref<10000xf32, #tpu.memory_space<vmem>>, vector<16xf32>,
      %add3A_433 = arith.constant 112 : i32
      %add3A_434 = arith.addi %multiple_of3A_264, %add3A_433 : i32
      %multiple_of3A_435 = tpu.assume_multiple %add3A_434, 16 : i32
      %get3A_436 = arith.index_cast %multiple_of3A_435 : i32 to index
      %get3A_437 = tpu.vector_load %arg9[%get3A_436] {strides = array<i32>} : memref<10000xi32, #tpu.memory_space<vmem>>, vector<16xi32>,
      %get3A_438 = arith.index_cast %multiple_of3A_435 : i32 to index
      %get3A_439 = tpu.vector_load %arg7[%get3A_438] {strides = array<i32>} : memref<10000xi32, #tpu.memory_space<vmem>>, vector<16xi32>,
      %ge3A_440 = arith.constant 5120 : i32
      %ge3A_441 = vector.broadcast %ge3A_440 : i32 to vector<16xi32>
      %ge3A_442 = arith.cmpi sge, %get3A_439, %ge3A_441 : vector<16xi32>
      %and3A_443 = arith.constant -65536 : i32
      %and3A_444 = vector.broadcast %and3A_443 : i32 to vector<16xi32>
      %and3A_445 = arith.andi %get3A_437, %and3A_444 : vector<16xi32>
      %shift_left3A_446 = arith.constant 16 : i32
      %shift_left3A_447 = vector.broadcast %shift_left3A_446 : i32 to vector<16xi32>
      %shift_left3A_448 = arith.shli %get3A_437, %shift_left3A_447 : vector<16xi32>
      %select_n3A_449 = arith.select %ge3A_442, %and3A_445, %shift_left3A_448 : vector<16xi1>, vector<16xi32>
      %bitcast_convert_type3A_450 = tpu.bitcast %select_n3A_449 : vector<16xi32> -> vector<16xf32>
      %sub3A_451 = arith.constant 1.000000e+00 : f32
      %sub3A_452 = vector.broadcast %sub3A_451 : f32 to vector<16xf32>
      %sub3A_453 = arith.subf %bitcast_convert_type3A_450, %sub3A_452 : vector<16xf32>
      %exp3A_454 = math.exp %sub3A_453 : vector<16xf32>
      %swap3A_455 = arith.index_cast %multiple_of3A_435 : i32 to index
      %swap3A_456 = tpu.vector_load %arg10[%swap3A_455] {strides = array<i32>} : memref<10000xf32, #tpu.memory_space<vmem>>, vector<16xf32>,
      tpu.vector_store %arg10[%swap3A_455], %exp3A_454 {strides = array<i32>} : memref<10000xf32, #tpu.memory_space<vmem>>, vector<16xf32>,
      %add3A_457 = arith.constant 2 : i32
      %add3A_458 = arith.addi %add3A_253, %add3A_457 : i32
      %lt3A_459 = arith.constant 78 : i32
      %lt3A_460 = arith.cmpi slt, %add3A_458, %lt3A_459 : i32
      %convert_element_type3A_461 = arith.extui %lt3A_460 : i1 to i32
      %cond3A_462 = arith.constant 0 : i32
      %cond3A_463 = arith.cmpi ne, %convert_element_type3A_461, %cond3A_462 : i32
      scf.if %cond3A_463 {
        %add3A_464 = arith.constant 2 : i32
        %add3A_465 = arith.addi %add3A_253, %add3A_464 : i32
        %mul3A_466 = arith.constant 128 : i32
        %mul3A_467 = arith.muli %add3A_465, %mul3A_466 : i32
        %multiple_of3A_468 = tpu.assume_multiple %mul3A_467, 128 : i32
        %dma_start3A_469 = tpu.memref_slice %arg9[%multiple_of3A_468] : memref<10000xi32, #tpu.memory_space<vmem>> -> memref<128xi32, #tpu.memory_space<vmem>>
        %dma_start3A_470 = tpu.memref_slice %arg8[%multiple_of3A_468] : memref<10000xi32, #tpu.memory_space<vmem>> -> memref<128xi32, #tpu.memory_space<vmem>>
        %dma_start3A_471 = arith.constant 0 : i32
        %dma_start3A_472 = tpu.memref_slice %arg2[%dma_start3A_471] : memref<52428800xi32, #tpu.memory_space<hbm>> -> memref<52428800xi32, #tpu.memory_space<hbm>>
        tpu.enqueue_indirect_dma source(%dma_start3A_472 : memref<52428800xi32, #tpu.memory_space<hbm>>) target(%dma_start3A_469 : memref<128xi32, #tpu.memory_space<vmem>>) offsets(%dma_start3A_470 : memref<128xi32, #tpu.memory_space<vmem>>) semaphore(%arg12 : memref<!tpu.dma_semaphore, #tpu.memory_space<semaphore_mem>>)
      } else {
      }
    }
    %scan3A_21 = arith.constant 39 : i32
    "tpu.region"() ({
      %run_scoped3A = tpu.sem_alloc : memref<!tpu.dma_semaphore, #tpu.memory_space<semaphore_mem>>
      %dma_start3A_39 = arith.constant 9984 : i32
      %dma_start3A_40 = tpu.memref_slice %arg9[%dma_start3A_39] : memref<10000xi32, #tpu.memory_space<vmem>> -> memref<16xi32, #tpu.memory_space<vmem>>
      %dma_start3A_41 = arith.constant 9984 : i32
      %dma_start3A_42 = tpu.memref_slice %arg8[%dma_start3A_41] : memref<10000xi32, #tpu.memory_space<vmem>> -> memref<16xi32, #tpu.memory_space<vmem>>
      %dma_start3A_43 = arith.constant 0 : i32
      %dma_start3A_44 = tpu.memref_slice %arg2[%dma_start3A_43] : memref<52428800xi32, #tpu.memory_space<hbm>> -> memref<52428800xi32, #tpu.memory_space<hbm>>
      tpu.enqueue_indirect_dma source(%dma_start3A_44 : memref<52428800xi32, #tpu.memory_space<hbm>>) target(%dma_start3A_40 : memref<16xi32, #tpu.memory_space<vmem>>) offsets(%dma_start3A_42 : memref<16xi32, #tpu.memory_space<vmem>>) semaphore(%run_scoped3A : memref<!tpu.dma_semaphore, #tpu.memory_space<semaphore_mem>>)
      %dma_wait3A = arith.constant 9984 : i32
      %dma_wait3A_45 = tpu.memref_slice %arg9[%dma_wait3A] : memref<10000xi32, #tpu.memory_space<vmem>> -> memref<16xi32, #tpu.memory_space<vmem>>
      %dma_wait3A_46 = arith.constant 9984 : i32
      %dma_wait3A_47 = tpu.memref_slice %arg8[%dma_wait3A_46] : memref<10000xi32, #tpu.memory_space<vmem>> -> memref<16xi32, #tpu.memory_space<vmem>>
      %dma_wait3A_48 = arith.constant 0 : i32
      %dma_wait3A_49 = tpu.memref_slice %arg2[%dma_wait3A_48] : memref<52428800xi32, #tpu.memory_space<hbm>> -> memref<52428800xi32, #tpu.memory_space<hbm>>
      tpu.wait_indirect_dma semaphore(%run_scoped3A : memref<!tpu.dma_semaphore, #tpu.memory_space<semaphore_mem>>) src(%dma_wait3A_49 : memref<52428800xi32, #tpu.memory_space<hbm>>) dst(%dma_wait3A_45 : memref<16xi32, #tpu.memory_space<vmem>>)
      tpu.yield
    }) : () -> ()
    %multiple_of3A_22 = arith.constant 9984 : i32
    %multiple_of3A_23 = tpu.assume_multiple %multiple_of3A_22, 128 : i32
    %add3A_24 = arith.constant 0 : i32
    %add3A_25 = arith.addi %multiple_of3A_23, %add3A_24 : i32
    %multiple_of3A_26 = tpu.assume_multiple %add3A_25, 16 : i32
    %get3A = arith.index_cast %multiple_of3A_26 : i32 to index
    %get3A_27 = tpu.vector_load %arg9[%get3A] {strides = array<i32>} : memref<10000xi32, #tpu.memory_space<vmem>>, vector<16xi32>,
    %get3A_28 = arith.index_cast %multiple_of3A_26 : i32 to index
    %get3A_29 = tpu.vector_load %arg7[%get3A_28] {strides = array<i32>} : memref<10000xi32, #tpu.memory_space<vmem>>, vector<16xi32>,
    %ge3A = arith.constant 5120 : i32
    %ge3A_30 = vector.broadcast %ge3A : i32 to vector<16xi32>
    %ge3A_31 = arith.cmpi sge, %get3A_29, %ge3A_30 : vector<16xi32>
    %and3A = arith.constant -65536 : i32
    %and3A_32 = vector.broadcast %and3A : i32 to vector<16xi32>
    %and3A_33 = arith.andi %get3A_27, %and3A_32 : vector<16xi32>
    %shift_left3A = arith.constant 16 : i32
    %shift_left3A_34 = vector.broadcast %shift_left3A : i32 to vector<16xi32>
    %shift_left3A_35 = arith.shli %get3A_27, %shift_left3A_34 : vector<16xi32>
    %select_n3A = arith.select %ge3A_31, %and3A_33, %shift_left3A_35 : vector<16xi1>, vector<16xi32>
    %bitcast_convert_type3A = tpu.bitcast %select_n3A : vector<16xi32> -> vector<16xf32>
    %sub3A = arith.constant 1.000000e+00 : f32
    %sub3A_36 = vector.broadcast %sub3A : f32 to vector<16xf32>
    %sub3A_37 = arith.subf %bitcast_convert_type3A, %sub3A_36 : vector<16xf32>
    %exp3A = math.exp %sub3A_37 : vector<16xf32>
    %swap3A = arith.index_cast %multiple_of3A_26 : i32 to index
    %swap3A_38 = tpu.vector_load %arg10[%swap3A] {strides = array<i32>} : memref<10000xf32, #tpu.memory_space<vmem>>, vector<16xf32>,
    tpu.vector_store %arg10[%swap3A], %exp3A {strides = array<i32>} : memref<10000xf32, #tpu.memory_space<vmem>>, vector<16xf32>,
    "tpu.region"() ({
      %run_scoped3A = tpu.sem_alloc : memref<!tpu.dma_semaphore, #tpu.memory_space<semaphore_mem>>
      %dma_start3A_39 = tpu.memref_slice %arg5[%mul3A_2] : memref<320000xf32, #tpu.memory_space<hbm>> -> memref<10000xf32, #tpu.memory_space<hbm>>
      %dma_start3A_40 = tpu.memref_slice %arg5[%mul3A_2] : memref<320000xf32, #tpu.memory_space<hbm>> -> memref<10000xf32, #tpu.memory_space<hbm>>
      tpu.enqueue_dma source(%arg10 : memref<10000xf32, #tpu.memory_space<vmem>>) target(%dma_start3A_40 : memref<10000xf32, #tpu.memory_space<hbm>>) target_semaphore(%run_scoped3A : memref<!tpu.dma_semaphore, #tpu.memory_space<semaphore_mem>>)
      %dma_wait3A = tpu.memref_slice %arg5[%mul3A_2] : memref<320000xf32, #tpu.memory_space<hbm>> -> memref<10000xf32, #tpu.memory_space<hbm>>
      %dma_wait3A_41 = tpu.memref_slice %arg5[%mul3A_2] : memref<320000xf32, #tpu.memory_space<hbm>> -> memref<10000xf32, #tpu.memory_space<hbm>>
      tpu.wait_dma2 semaphore(%run_scoped3A : memref<!tpu.dma_semaphore, #tpu.memory_space<semaphore_mem>>) src(%arg10 : memref<10000xf32, #tpu.memory_space<vmem>>) dst(%dma_wait3A_41 : memref<10000xf32, #tpu.memory_space<hbm>>)
      tpu.yield
    }) : () -> ()
    return
  }
}

module attributes {stable_mosaic.version = 14 : i64} {
  func.func @body(%arg0: i32, %arg1: memref<512x128xbf16, #tpu.memory_space<vmem>>, %arg2: memref<10240x128xbf16, #tpu.memory_space<vmem>>, %arg3: memref<2621440xi32, #tpu.memory_space<vmem>>) attributes {dimension_semantics = [#tpu.dimension_semantics<arbitrary>], iteration_bounds = array<i64: 20>, scalar_prefetch = 0 : i64, scratch_operands = 0 : i64, tpu.core_type = #tpu.core_type<tc>, window_params = [{transform_indices = @transform_0, window_bounds = array<i64: 512, 128>}, {pipeline_mode = #tpu.pipeline_mode<synchronous>, transform_indices = @transform_1, window_bounds = array<i64: 10240, 128>}, {transform_indices = @transform_2, window_bounds = array<i64: 2621440>}]} {
    %get3A = arith.constant 0 : index
    %get3A_0 = arith.constant 0 : index
    %get3A_1 = vector.load %arg1[%get3A, %get3A_0] : memref<512x128xbf16, #tpu.memory_space<vmem>>, vector<512x128xbf16>
    %get3A_2 = arith.constant 0 : index
    %get3A_3 = arith.constant 0 : index
    %get3A_4 = vector.load %arg2[%get3A_2, %get3A_3] : memref<10240x128xbf16, #tpu.memory_space<vmem>>, vector<10240x128xbf16>
    %dot_general3A = arith.constant dense<0.000000e+00> : vector<512x10240xf32>
    %dot_general3A_5 = tpu.matmul %get3A_1, %get3A_4, %dot_general3A {dimension_numbers = #tpu.dot_dimension_numbers<[1], [1], [0], [0], [0, 0, 1, 0], [], []>, transpose_lhs_hint = false} : vector<512x128xbf16>, vector<10240x128xbf16>, vector<512x10240xf32> -> vector<512x10240xf32>
    %slice3A = vector.extract_strided_slice %dot_general3A_5 {offsets = [0, 0], sizes = [512, 5120], strides = [1, 1]} : vector<512x10240xf32> to vector<512x5120xf32>
    %convert_element_type3A = arith.truncf %slice3A : vector<512x5120xf32> to vector<512x5120xbf16>
    %bitcast_convert_type3A = tpu.bitcast %convert_element_type3A : vector<512x5120xbf16> -> vector<512x5120xi16>
    %convert_element_type3A_6 = arith.extui %bitcast_convert_type3A : vector<512x5120xi16> to vector<512x5120xi32>
    %slice3A_7 = vector.extract_strided_slice %dot_general3A_5 {offsets = [0, 5120], sizes = [512, 5120], strides = [1, 1]} : vector<512x10240xf32> to vector<512x5120xf32>
    %convert_element_type3A_8 = arith.truncf %slice3A_7 : vector<512x5120xf32> to vector<512x5120xbf16>
    %bitcast_convert_type3A_9 = tpu.bitcast %convert_element_type3A_8 : vector<512x5120xbf16> -> vector<512x5120xi16>
    %convert_element_type3A_10 = arith.extui %bitcast_convert_type3A_9 : vector<512x5120xi16> to vector<512x5120xi32>
    %shift_left3A = arith.constant 16 : i32
    %shift_left3A_11 = vector.broadcast %shift_left3A : i32 to vector<512x5120xi32>
    %shift_left3A_12 = arith.shli %convert_element_type3A_10, %shift_left3A_11 : vector<512x5120xi32>
    %or3A = arith.ori %convert_element_type3A_6, %shift_left3A_12 : vector<512x5120xi32>
    %bitcast_convert_type3A_13 = tpu.bitcast %or3A : vector<512x5120xi32> -> vector<512x5120xi32>
    %reshape3A = vector.shape_cast %bitcast_convert_type3A_13 : vector<512x5120xi32> to vector<2621440xi32>
    %swap3A = arith.constant 0 : index
    %swap3A_14 = vector.load %arg3[%swap3A] : memref<2621440xi32, #tpu.memory_space<vmem>>, vector<2621440xi32>
    tpu.vector_store %arg3[%swap3A], %reshape3A {strides = array<i32>} : memref<2621440xi32, #tpu.memory_space<vmem>>, vector<2621440xi32>,
    return
  }
  func.func @transform_0(%arg0: i32) -> (i32, i32) {
    %c0_i32 = arith.constant 0 : i32
    %c0_i32_0 = arith.constant 0 : i32
    return %arg0, %c0_i32 : i32, i32
  }
  func.func @transform_1(%arg0: i32) -> (i32, i32) {
    %c0_i32 = arith.constant 0 : i32
    %c0_i32_0 = arith.constant 0 : i32
    %c0_i32_1 = arith.constant 0 : i32
    return %c0_i32, %c0_i32_0 : i32, i32
  }
  func.func @transform_2(%arg0: i32) -> i32 {
    %c0_i32 = arith.constant 0 : i32
    return %arg0 : i32
  }
}

module attributes {stable_mosaic.version = 14 : i64} {
  func.func @body(%arg0: i32, %arg1: memref<1000x128xf32, #tpu.memory_space<vmem>>, %arg2: memref<1000x128xbf16, #tpu.memory_space<vmem>>) attributes {dimension_semantics = [#tpu.dimension_semantics<arbitrary>], iteration_bounds = array<i64: 10>, scalar_prefetch = 0 : i64, scratch_operands = 0 : i64, tpu.core_type = #tpu.core_type<tc>, window_params = [{transform_indices = @transform_0, window_bounds = array<i64: 1000, 128>}, {transform_indices = @transform_1, window_bounds = array<i64: 1000, 128>}]} {
    %get3A = arith.constant 0 : index
    %get3A_0 = arith.constant 0 : index
    %get3A_1 = vector.load %arg1[%get3A, %get3A_0] : memref<1000x128xf32, #tpu.memory_space<vmem>>, vector<1000x128xf32>
    %mul3A = arith.mulf %get3A_1, %get3A_1 : vector<1000x128xf32>
    %reduce_sum3A = arith.constant dense<0.000000e+00> : vector<1000xf32>
    %reduce_sum3A_2 = vector.multi_reduction <add>, %mul3A, %reduce_sum3A [1] : vector<1000x128xf32> to vector<1000xf32>
    %broadcast_in_dim3A = vector.shape_cast %reduce_sum3A_2 : vector<1000xf32> to vector<1000x1xf32>
    %sqrt3A = math.sqrt %broadcast_in_dim3A : vector<1000x1xf32>
    %max3A = arith.constant 9.99999996E-13 : f32
    %max3A_3 = vector.broadcast %max3A : f32 to vector<1000x1xf32>
    %max3A_4 = arith.maximumf %sqrt3A, %max3A_3 : vector<1000x1xf32>
    %div3A = vector.broadcast %max3A_4 : vector<1000x1xf32> to vector<1000x128xf32>
    %div3A_5 = arith.divf %get3A_1, %div3A : vector<1000x128xf32>
    %convert_element_type3A = arith.truncf %div3A_5 : vector<1000x128xf32> to vector<1000x128xbf16>
    %swap3A = arith.constant 0 : index
    %swap3A_6 = arith.constant 0 : index
    %swap3A_7 = vector.load %arg2[%swap3A, %swap3A_6] : memref<1000x128xbf16, #tpu.memory_space<vmem>>, vector<1000x128xbf16>
    tpu.vector_store %arg2[%swap3A, %swap3A_6], %convert_element_type3A {strides = array<i32>} : memref<1000x128xbf16, #tpu.memory_space<vmem>>, vector<1000x128xbf16>,
    return
  }
  func.func @transform_0(%arg0: i32) -> (i32, i32) {
    %c0_i32 = arith.constant 0 : i32
    %c0_i32_0 = arith.constant 0 : i32
    return %arg0, %c0_i32 : i32, i32
  }
  func.func @transform_1(%arg0: i32) -> (i32, i32) {
    %c0_i32 = arith.constant 0 : i32
    %c0_i32_0 = arith.constant 0 : i32
    return %arg0, %c0_i32 : i32, i32
  }
}

</mosaic_0001>

<sc_bundles>
// kernel: kernel.5.cloned.1.call-start
scs
__scs_entry_jumppad:
0x0: {  	(pc) =	sbr.rel $0x88, $3  }
0x1: {  	(tag) =	ssettag $0x0;
	lr =	simm.s32 $0x1  }
0x2: {  	[smem:$0x3F9F] =	sst lr;
	_ =	strace $0xD0000000  }
0x3: {  	_ = 	snop  }
0x4: {  	_ = 	snop  }
0x5: {  	_ = 	snop  }
0x6: {  	_ = 	snop  }
0x7: {  	_ = 	snop  }
__scs_overlays_trampoline_lowered:
0x8: {  	[smem:$0x3FAE] =	sst s0  }
0x9: {  	[smem:$0x3FAF] =	sst s1  }
0xa: {  	[smem:$0x3FB0] =	sst s2  }
0xb: {  	[smem:$0x3FB1] =	sst s3  }
0xc: {  	[smem:$0x3FB2] =	sst s4  }
0xd: {  	[smem:$0x3FB3] =	sst s5  }
0xe: {  	[smem:$0x3FB4] =	sst s6  }
0xf: {  	[smem:$0x3FB5] =	sst s7  }
0x10: {  	[smem:$0x3FB6] =	sst s8  }
0x11: {  	[smem:$0x3FB7] =	sst s9;
	s0 =	simm.s32 @!p0 $0x0  }
0x12: {  	s1 =	sld [smem:$0x3F9D];
	s0 =	simm.s32 @p0 $0x1  }
0x13: {  	[smem:$0x3FB8] =	sst s0;
	s0 =	simm.s32 @!p1 $0x0  }
0x14: {  	s2 =	sld [smem:$0x3F9C];
	s0 =	simm.s32 @p1 $0x1  }
0x15: {  	[smem:$0x3FB9] =	sst s0;
	s0 =	simm.s32 @!p2 $0x0  }
0x16: {  	s3 =	sld [smem:$0x3FDB];
	s0 =	simm.s32 @p2 $0x1  }
0x17: {  	s4 =	simm.s32 $0x1BF5;
	[smem:$0x3FBB] =	sst s0  }
0x18: {  	s0 =	sld [smem:$0x3F9E];
	_ =	swait.ge [sflag:s4], $0x0  }
0x19: {  	s7 =	sld [smem:$0x3F9F]  }
0x1a: {  	s8 =	sadd.s32 $0xFFFFE003, lr  }
0x1b: {  	s9 =	sadd.s32 $0xFFFFFEF7, lr;
	s5 =	simm.s32 $0xFFFFFFFF;
	p2 =	slt.u32 s8, $0xFFFFF086  }
0x1c: {  	p1 =	slt.u32 s9, $0xF7A;
	s5 =	simm.s32 @!p2 $0x0  }
0x1d: {  	s5 =	simm.s32 @p1 $0x1;
	p0 =	seq.s32 s7, s2  }
0x1e: {  	s7 =	smul.u32 @!p0 $0xF7A, s2;
	p2 =	seq.s32 @!p0 s5, $0x0  }
0x1f: {  	s9 =	smul.u32 $0xF7A, s1;
	s8 =	simm.s32 @!p0 $0x1BF5;
	p2 =	por !p2, p0  }
0x20: {  	[sflag:s8] =	ssyncset.s32 @!p0 $0xFFFFF086;
	s6 =	sadd.s32 @!p0 s3, s7;
	s7 =	simm.s32 @!p0 $0x108  }
0x21: {  	s3 =	sadd.s32 s3, s9;
	s6 =	sadd.s32 @!p0 $0x88, s6;
	s7 =	simm.s32 @p2 $0x1082  }
0x22: {  	[simem:s7], [sflag:s8] =	dma.local @!p0 [hbm:s6], $0xF7A  }
0x23: {  	s9 =	sor.u32 $0xD0000000, s2;
	s6 =	simm.s32 $0x108;
	_ =	swait.ge @!p0 [sflag:s8], $0x0  }
0x24: {  	s3 =	sadd.s32 $0x88, s3;
	s6 =	simm.s32 @!p1 $0x1082;
	[sflag:s4] =	ssyncset.s32 $0xFFFFF086  }
0x25: {  	[simem:s6], [sflag:s4] =	dma.local [hbm:s3], $0xF7A  }
0x26: {  	[smem:$0x3F9F] =	sst s1;
	(tag) =	ssettag s2;
	_ =	strace s9  }
0x27: {  	s1 =	sld [smem:$0x3FAF]  }
0x28: {  	s2 =	sld [smem:$0x3FB0]  }
0x29: {  	s4 =	sld [smem:$0x3FB2]  }
0x2a: {  	p0 =	seq.s32 s5, $0x0;
	s5 =	sld [smem:$0x3FB3]  }
0x2b: {  	s6 =	sld [smem:$0x3FB4]  }
0x2c: {  	s7 =	sld [smem:$0x3FB5]  }
0x2d: {  	s3 =	simm.s32 $0x108;
	s8 =	sld [smem:$0x3FB6]  }
0x2e: {  	s3 =	simm.s32 @!p0 $0x1082;
	s9 =	sld [smem:$0x3FB7]  }
0x2f: {  	lr =	sadd.s32 s0, s3;
	s0 =	sld [smem:$0x3FAE]  }
0x30: {  	s3 =	sld [smem:$0x3FB1]  }
0x31: {  	[smem:$0x3FBA] =	sst s10  }
0x32: {  	s10 =	sld [smem:$0x3FB8];
	_ =	sdelay $0x3  }
0x33: {  	p0 =	seq.s32 s10, $0x1;
	s10 =	sld [smem:$0x3FBA];
	_ =	sdelay $0x3  }
0x34: {  	[smem:$0x3FBA] =	sst s10  }
0x35: {  	s10 =	sld [smem:$0x3FB9];
	_ =	sdelay $0x3  }
0x36: {  	p1 =	seq.s32 s10, $0x1;
	s10 =	sld [smem:$0x3FBA];
	_ =	sdelay $0x3  }
0x37: {  	[smem:$0x3FBA] =	sst s10  }
0x38: {  	s10 =	sld [smem:$0x3FBB]  }
0x39: {  	_ = 	snop;
	(pc) =	sbr.ind lr, $3  }
0x3a: {  	_ = 	snop  }
0x3b: {  	_ = 	snop  }
0x3c: {  	p2 =	seq.s32 s10, $0x1;
	s10 =	sld [smem:$0x3FBA]  }
0x3d: {  	_ =	shalt  }
0x3e: {  	_ =	shalt  }
0x3f: {  	_ =	shalt  }
0x40: {  	_ =	shalt  }
0x41: {  	_ =	shalt  }
0x42: {  	_ =	shalt  }
0x43: {  	_ =	shalt  }
0x44: {  	_ =	shalt  }
0x45: {  	_ =	shalt  }
0x46: {  	_ =	shalt  }
0x47: {  	_ =	shalt  }
0x48: {  	_ =	shalt  }
0x49: {  	_ =	shalt  }
0x4a: {  	_ =	shalt  }
0x4b: {  	_ =	shalt  }
0x4c: {  	_ =	shalt  }
0x4d: {  	_ =	shalt  }
0x4e: {  	_ =	shalt  }
0x4f: {  	_ =	shalt  }
0x50: {  	_ =	shalt  }
0x51: {  	_ =	shalt  }
0x52: {  	_ =	shalt  }
0x53: {  	_ =	shalt  }
0x54: {  	_ =	shalt  }
0x55: {  	_ =	shalt  }
0x56: {  	_ =	shalt  }
0x57: {  	_ =	shalt  }
0x58: {  	_ =	shalt  }
0x59: {  	_ =	shalt  }
0x5a: {  	_ =	shalt  }
0x5b: {  	_ =	shalt  }
0x5c: {  	_ =	shalt  }
0x5d: {  	_ =	shalt  }
0x5e: {  	_ =	shalt  }
0x5f: {  	_ =	shalt  }
0x60: {  	_ =	shalt  }
0x61: {  	_ =	shalt  }
0x62: {  	_ =	shalt  }
0x63: {  	_ =	shalt  }
0x64: {  	_ =	shalt  }
0x65: {  	_ =	shalt  }
0x66: {  	_ =	shalt  }
0x67: {  	_ =	shalt  }
0x68: {  	_ =	shalt  }
0x69: {  	_ =	shalt  }
0x6a: {  	_ =	shalt  }
0x6b: {  	_ =	shalt  }
0x6c: {  	_ =	shalt  }
0x6d: {  	_ =	shalt  }
0x6e: {  	_ =	shalt  }
0x6f: {  	_ =	shalt  }
0x70: {  	_ =	shalt  }
0x71: {  	_ =	shalt  }
0x72: {  	_ =	shalt  }
0x73: {  	_ =	shalt  }
0x74: {  	_ =	shalt  }
0x75: {  	_ =	shalt  }
0x76: {  	_ =	shalt  }
0x77: {  	_ =	shalt  }
0x78: {  	_ =	shalt  }
0x79: {  	_ =	shalt  }
0x7a: {  	_ =	shalt  }
0x7b: {  	_ =	shalt  }
0x7c: {  	_ =	shalt  }
0x7d: {  	_ =	shalt  }
0x7e: {  	_ =	shalt  }
0x7f: {  	_ =	shalt  }
0x80: {  	_ =	shalt  }
0x81: {  	_ =	shalt  }
0x82: {  	_ =	shalt  }
0x83: {  	_ =	shalt  }
0x84: {  	_ =	shalt  }
0x85: {  	_ =	shalt  }
0x86: {  	_ =	shalt  }
0x87: {  	_ =	shalt  }
.Lfunc_end0:
.L_simem_size_0:
called_computation_lowered:
.L_overlay_start_0:
0x88: {  	s2 =	sld [smem:$0x3FD9]  }
0x89: {  	s3 =	sld [smem:$0x3FFE];
	_ =	sdelay $0x1  }
0x8a: {  	s1 =	srdreg.scid  }
0x8b: {  	s0 =	sand.u32 $0x1, s1  }
0x8c: {  	s17 =	sshll.u32 s0, $0xA;
	s2 =	sadd.s32 s3, s2  }
0x8d: {  	s2 =	sadd.s32 s2, s17  }
0x8e: {  	[smem:$0x3FC6] =	sst s2  }
0x8f: {  	_ = 	snop  }
0x90: {  	s2 =	sld [smem:$0x3FD0];
	(tm) =	ssettm $0x1  }
0x91: {  	s18 =	sld [smem:$0x3FFB];
	_ =	sdelay $0x3  }
0x92: {  	_ =	strace s18  }
0x93: {  	s3 =	sld [smem:$0x3FFC];
	_ =	sdelay $0x3  }
0x94: {  	_ =	strace s3  }
0x95: {  	s3 =	sld [smem:$0x3FFD];
	_ =	sdelay $0x3  }
0x96: {  	_ =	strace s3  }
0x97: {  	_ =	strace $0x8FFFFFFF  }
0x98: {  	s19 =	sld [smem:$0x3FDB];
	_ =	sdelay $0x1  }
0x99: {  	s4 =	simm.s32 $_scs_section_size  }
0x9a: {  	s5 =	simm.s32 $_size__tile_overlayer_lowered;
	s6 =	simm.s32 $_tile_overlayer_lowered  }
0x9b: {  	s22 =	simm.s32 $0x1BFF;
	s21 =	sshll.u32 s6, $0x1;
	s3 =	sadd.s32 s4, s19  }
0x9c: {  	s7 =	simm.s32 $0x0;
	s20 =	sshll.u32 s5, $0x1;
	s5 =	sadd.s32 s21, s3  }
0x9d: {  	[timem:s7], [sflag:s22] =	dma.local [hbm:s5], s20  }
0x9e: {  	_ =	swait.ge [sflag:s22], s20  }
0x9f: {  	s4 =	ssub.s32 $0x0, s20;
	[sflag:s22] =	ssyncset.done $0x0  }
0xa0: {  	[sflag:s22] =	ssyncadd.s32 s4;
	_ =	sdelay $0x1  }
0xa1: {  	s23 =	simm.s32 $0x1B8B  }
0xa2: {  	_ =	swait.ge [sflag:s23], $0x1  }
0xa3: {  	[sflag:s23] =	ssyncset.done $0x0  }
0xa4: {  	s25 =	simm.s32 $0x1B8E;
	s24 =	sld [smem:$0x3FFE];
	[sflag:s23] =	ssyncadd.s32 $0xFFFFFFFF  }
0xa5: {  	s26 =	simm.s32 $execute0_lowered;
	[smem:$0x3FD2] =	sst s25  }
0xa6: {  	s5 =	sshll.u32 s26, $0x1;
	_ =	strace $0x80000046;
	[dreg:$0x1] =	wrdreg $0xFFFFFFFF  }
0xa7: {  	s28 =	simm.s32 $_size_execute0_lowered;
	s3 =	sadd.s32 s3, s5;
	[dreg:$0x0] =	wrdreg $0x0  }
0xa8: {  	s5 =	sshll.u32 s28, $0x1;
	[dreg:$0x2] =	wrdreg s3  }
0xa9: {  	[dreg:$0x3] =	wrdreg s5  }
0xaa: {  	[dreg:$0x4] =	wrdreg $0xC0  }
0xab: {  	_ =	task [dreg:s7], $0x5FFFF  }
0xac: {  	[dreg:$0x1] =	wrdreg $0xFFFFFFFF  }
0xad: {  	[dreg:$0x0] =	wrdreg $0x60  }
0xae: {  	[dreg:$0x2] =	wrdreg s24  }
0xaf: {  	[dreg:$0x3] =	wrdreg s2  }
0xb0: {  	[dreg:$0x4] =	wrdreg $0x9  }
0xb1: {  	_ =	task.clear_ibuf [dreg:s7], $0x5FFFF;
	_ =	strace $0x90000046  }
0xb2: {  	s29 =	simm.s32 $0x9;
	_ =	strace $0x80000048  }
0xb3: {  	_ =	swait.ge [sflag:s29], $0x1  }
0xb4: {  	[sflag:s29] =	ssyncadd.s32 $0xFFFFFFFF  }
0xb5: {  	_ =	strace $0x90000048  }
0xb6: {  	_ =	sfence  }
0xb7: {  	s30 =	sld [smem:$0x0];
	_ =	sdelay $0x2  }
0xb8: {  	s31 =	sshll.u32 s1, $0xD;
	s1 =	sshrl.u32 s1, $0x2  }
0xb9: {  	s3 =	sand.u32 $0x4000, s31;
	s1 =	sadd.s32 s1, s30  }
0xba: {  	s0 =	sor.u32 s3, s0;
	s1 =	sshll.u32 s1, $0x11  }
0xbb: {  	s0 =	sor.u32 s1, s0  }
0xbc: {  	s0 =	sadd.s32 $0x8F2B, s0  }
0xbd: {  	[sflag:s0] =	ssyncadd.remote.s32 $0x1  }
0xbe: {  	_ =	sfence.sel $0xFFFF  }
0xbf: {  	[dreg:$0x0] =	wrdreg $0xFFFFFFFF;
	(pc) =	sbr.abs _section_cstart, $3  }
0xc0: {  	[dreg:$0x1] =	wrdreg $0xFFFFFFFF  }
0xc1: {  	_ =	task.clear_ibuf [dreg:s7], $0x2FFFF;
	_ =	strace $0x9FFFFFFF  }
0xc2: {  	(tm) =	ssettm $0x7FFFFFFF  }
0xc3: {  	_ =	shalt  }
tec
execute0_lowered:
.L_overlay_start_1:
0x0: {  	(tag) =	ssettag $0x1  }
0x1: {  	s2 =	rddreg [dreg:$0x0];
	s1 =	srdreg.scid  }
0x2: {  	s0 =	stileid.u32;
	s6 =	rddreg [dreg:$0x1];
	s10 =	simm.s32 $0x80  }
0x3: {  	s11 =	simm.s32 $0x4F00;
	s12 =	simm.s32 $0x7680;
	s13 =	simm.s32 $0x4F80  }
0x4: {  	s14 =	simm.s32 $0x7700;
	s15 =	simm.s32 $0x1;
	s16 =	simm.s32 $0x2  }
0x5: {  	s17 =	simm.s32 $0x10;
	s4 =	sand.u32 $0x1, s1;
	s3 =	sshll.u32 s0, $0x1  }
0x6: {  	s18 =	simm.s32 $0x7600;
	s19 =	simm.s32 $0x9D80;
	s5 =	sor.u32 s4, s3  }
0x7: {  	s20 =	simm.s32 $0x9E00;
	s1 =	rddreg [dreg:$0x2];
	s7 =	smul.u32 $0x4E2, s5  }
.Ltmp0:
0x8: {  	s3 =	simm.s32 $0x0;
	s4 =	ssub.s32 $0x2, s4;
	(pc) =	sbr.rel .LBB2_1-.Ltmp0, $4  }
0x9: {  	s21 =	simm.s32 $0x0;
	[smem:$0x7FF] =	sst s3;
	s31 =	sshrl.u32 s4, $0x1  }
0xa: {  	_ =	strace $0x80000047;
	s9 =	ssub.s32 s4, s31;
	s8 =	sadd.s32 s7, s2  }
0xb: {  	s6 =	sadd.s32 s6, s7;
	s7 =	smax.u32 s9, $0x1;
	s9 =	simm.s32 $0x2780  }
0xc: {  	s4 =	sadd.s32 $0x649E00, s8;
	s5 =	sadd.s32 $0x640000, s8;
	s8 =	simm.s32 $0x3  }
.LBB2_6:
0xd: {  	[tilespmem:s19], [sflag:$0x3] =	stream.indirect.gather [hbm4b:s2+s17], $0x1, s18, s17, $0xb8;
	[tilespmem:$0xC580] =	vst v63  }
0xe: {  	_ =	swait.ge [sflag:s8], $0x10  }
0xf: {  	[sflag:s8] =	ssyncset.done $0x0  }
0x10: {  	[sflag:s8] =	ssyncadd.s32 $0xFFFFFFF0  }
0x11: {  	v0 =	vld [tilespmem:$0x9D80]  }
0x12: {  	v1 =	vld [tilespmem:$0x4E80];
	_ =	sdelay $0x4  }
0x13: {  	vm0 =	vgt.s32 v1, $0x13FF;
	v63 =	vand.u32 $0xFFFF0000, v0;
	v0 =	vshll.u32 v0, $0x10  }
0x14: {  	v0 =	vsel vm0, v63, v0  }
0x15: {  	v0 =	vadd.f32 $-1.000000000e+00, v0;
	_ =	sdelay $0x1  }
0x16: {  	v0 =	vmul.f32 $1.442695020e+00, v0;
	_ =	sdelay $0x1  }
0x17: {  	(erf) = vpow2.f32 v0;
	_ =	sdelay $0x7  }
0x18: {  	s21 =	sadd.s32 $0x1, s21  }
0x19: {  	p0 =	sne.s32 s21, s7;
	v0 =	vpop (erf)  }
.Ltmp1:
0x1a: {  	[tilespmem:$0xC500] =	vst v0;
	(pc) =	sbr.rel @!p0 .LBB2_7-.Ltmp1, $4  }
0x1b: {  	[hbm4b:s6+s3] =	stream.linear.scatter [tilespmem:s20], [sflag:$0x3], $0x2710, $0x38;
	[tilespmem:$0xC580] =	vst v63  }
0x1c: {  	_ =	swait.ge [sflag:s8], $0x2710  }
0x1d: {  	[sflag:s8] =	ssyncset.done $0x0  }
0x1e: {  	[sflag:s8] =	ssyncadd.s32 $0xFFFFD8F0  }
.LBB2_1:
0x1f: {  	[tilespmem:s3], [sflag:$0x3] =	stream.linear.gather [hbm4b:s4+s3], $0x2710, $0x38;
	[tilespmem:$0xC580] =	vst v63  }
0x20: {  	_ =	swait.ge [sflag:s8], $0x2710  }
0x21: {  	[sflag:s8] =	ssyncset.done $0x0  }
0x22: {  	[sflag:s8] =	ssyncadd.s32 $0xFFFFD8F0  }
0x23: {  	[tilespmem:s9], [sflag:$0x3] =	stream.linear.gather [hbm4b:s5+s3], $0x2710, $0x38;
	[tilespmem:$0xC580] =	vst v63  }
0x24: {  	_ =	swait.ge [sflag:s8], $0x2710  }
0x25: {  	[sflag:s8] =	ssyncset.done $0x0  }
0x26: {  	s22 =	simm.s32 $0x0;
	[sflag:s8] =	ssyncadd.s32 $0xFFFFD8F0  }
0x27: {  	v0 =	vld [tilespmem:s22+$0x0]  }
0x28: {  	v1 =	vld [tilespmem:s22+$0x2780];
	_ =	sdelay $0x1  }
0x29: {  	s23 =	simm.s32 $0x40  }
.LBB2_2:
0x2a: {  	p0 =	sne.s32 s23, $0x9C00  }
.Ltmp2:
0x2b: {  	s24 =	sshra.s32 s23, $0x2;
	(pc) =	sbr.rel @p0 .LBB2_2-.Ltmp2, $4  }
0x2c: {  	s23 =	sadd.s32 $0x40, s23;
	v3 =	vmul.u32 $0x1400, v0;
	v0 =	vld [tilespmem:s24+$0x0];
	vm0 =	vgt.s32 v1, $0x13FF;
	v2 =	vadd.s32 $0xFFFFEC00, v1  }
0x2d: {  	v2 =	vsel vm0, v2, v1;
	v1 =	vld [tilespmem:s24+$0x2780]  }
0x2e: {  	v2 =	vadd.s32 v3, v2  }
0x2f: {  	[tilespmem:s22+$0x4F00] =	vst v2;
	s22 =	smov.u32 s24  }
0x30: {  	_ =	sdelay $0x1  }
0x31: {  	v0 =	vmul.u32 $0x1400, v0;
	vm0 =	vgt.s32 v1, $0x13FF;
	v2 =	vadd.s32 $0xFFFFEC00, v1  }
0x32: {  	v1 =	vsel vm0, v2, v1  }
0x33: {  	v0 =	vadd.s32 v0, v1  }
0x34: {  	[tilespmem:s22+$0x4F00] =	vst v0  }
0x35: {  	[tilespmem:s12], [sflag:$0x1] =	stream.indirect.gather [hbm4b:s2+s10], $0x1, s11, s10, $0xb8;
	[tilespmem:$0xC580] =	vst v63  }
0x36: {  	s22 =	simm.s32 $0x0  }
0x37: {  	[tilespmem:s14], [sflag:$0x2] =	stream.indirect.gather [hbm4b:s2+s10], $0x1, s13, s10, $0xb8;
	[tilespmem:$0xC580] =	vst v63  }
.LBB2_4:
0x38: {  	_ =	swait.ge [sflag:s15], $0x80  }
0x39: {  	[sflag:s15] =	ssyncset.done $0x0  }
0x3a: {  	s23 =	sshra.s32 s22, $0x2;
	[sflag:s15] =	ssyncadd.s32 $0xFFFFFF80  }
0x3b: {  	v0 =	vld [tilespmem:s23+$0x7680]  }
0x3c: {  	v1 =	vld [tilespmem:s23+$0x2780]  }
0x3d: {  	v2 =	vld [tilespmem:s23+$0x7690]  }
0x3e: {  	v3 =	vld [tilespmem:s23+$0x2790]  }
0x3f: {  	v4 =	vld [tilespmem:s23+$0x76A0]  }
0x40: {  	v5 =	vld [tilespmem:s23+$0x27A0]  }
0x41: {  	v53 =	vld [tilespmem:s23+$0x76B0]  }
0x42: {  	v6 =	vld [tilespmem:s23+$0x27B0]  }
0x43: {  	v56 =	vld [tilespmem:s23+$0x76C0]  }
0x44: {  	v57 =	vld [tilespmem:s23+$0x27C0]  }
0x45: {  	v58 =	vld [tilespmem:s23+$0x76D0]  }
0x46: {  	v7 =	vld [tilespmem:s23+$0x27D0]  }
0x47: {  	v61 =	vld [tilespmem:s23+$0x27E0];
	vm0 =	vgt.s32 v1, $0x13FF;
	v51 =	vand.u32 $0xFFFF0000, v0  }
0x48: {  	v8 =	vld [tilespmem:s23+$0x76E0];
	v0 =	vshll.u32 v0, $0x10;
	vm14 =	vgt.s32 v3, $0x13FF;
	v52 =	vand.u32 $0xFFFF0000, v2  }
0x49: {  	v9 =	vld [tilespmem:s23+$0x27F0];
	v2 =	vshll.u32 v2, $0x10;
	vm1 =	vgt.s32 v5, $0x13FF;
	v54 =	vand.u32 $0xFFFF0000, v4  }
0x4a: {  	v62 =	vld [tilespmem:s23+$0x76F0];
	v4 =	vshll.u32 v4, $0x10;
	vm15 =	vgt.s32 v6, $0x13FF;
	v59 =	vand.u32 $0xFFFF0000, v53  }
0x4b: {  	v3 =	vshll.u32 v53, $0x10;
	vm4 =	vgt.s32 v57, $0x13FF;
	v63 =	vand.u32 $0xFFFF0000, v56  }
0x4c: {  	vm5 =	vgt.s32 v7, $0x13FF;
	v10 =	vand.u32 $0xFFFF0000, v58;
	vm6 =	vgt.s32 v61, $0x13FF  }
0x4d: {  	v11 =	vand.u32 $0xFFFF0000, v8;
	v12 =	vshll.u32 v8, $0x10;
	v0 =	vsel vm0, v51, v0  }
0x4e: {  	vm7 =	vgt.s32 v9, $0x13FF;
	v1 =	vsel vm14, v52, v2;
	v0 =	vadd.f32 $-1.000000000e+00, v0  }
0x4f: {  	v13 =	vand.u32 $0xFFFF0000, v62;
	v55 =	vsel vm1, v54, v4;
	v1 =	vadd.f32 $-1.000000000e+00, v1  }
0x50: {  	v60 =	vsel vm15, v59, v3;
	v2 =	vadd.f32 $-1.000000000e+00, v55;
	v0 =	vmul.f32 $1.442695020e+00, v0  }
0x51: {  	v4 =	vshll.u32 v56, $0x10;
	v3 =	vsel vm6, v11, v12;
	v1 =	vmul.f32 $1.442695020e+00, v1  }
0x52: {  	v4 =	vsel vm4, v63, v4;
	v2 =	vmul.f32 $1.442695020e+00, v2;
	(erf) = vpow2.f32 v0  }
0x53: {  	v0 =	vshll.u32 v58, $0x10;
	(erf) = vpow2.f32 v1;
	v1 =	vadd.f32 $-1.000000000e+00, v60  }
0x54: {  	v4 =	vadd.f32 $-1.000000000e+00, v4;
	v0 =	vsel vm5, v10, v0;
	(erf) = vpow2.f32 v2  }
0x55: {  	v0 =	vadd.f32 $-1.000000000e+00, v0;
	v2 =	vshll.u32 v62, $0x10;
	v1 =	vmul.f32 $1.442695020e+00, v1  }
0x56: {  	v3 =	vadd.f32 $-1.000000000e+00, v3;
	v4 =	vmul.f32 $1.442695020e+00, v4;
	v2 =	vsel vm7, v13, v2  }
0x57: {  	v0 =	vmul.f32 $1.442695020e+00, v0;
	v14 =	vadd.f32 $-1.000000000e+00, v2;
	(erf) = vpow2.f32 v1  }
0x58: {  	v15 =	vmul.f32 $1.442695020e+00, v3;
	(erf) = vpow2.f32 v4  }
0x59: {  	v16 =	vmul.f32 $1.442695020e+00, v14;
	(erf) = vpow2.f32 v0  }
0x5a: {  	(erf) = vpow2.f32 v15  }
0x5b: {  	(erf) = vpow2.f32 v16;
	_ =	sdelay $0x1  }
0x5c: {  	v17 =	vpop (erf)  }
0x5d: {  	[tilespmem:s23+$0x9E00] =	vst v17;
	v18 =	vpop (erf)  }
0x5e: {  	[tilespmem:s23+$0x9E10] =	vst v18;
	v19 =	vpop (erf)  }
0x5f: {  	[tilespmem:s23+$0x9E20] =	vst v19;
	v20 =	vpop (erf)  }
0x60: {  	[tilespmem:s23+$0x9E30] =	vst v20;
	v21 =	vpop (erf)  }
0x61: {  	[tilespmem:s23+$0x9E40] =	vst v21;
	v22 =	vpop (erf)  }
0x62: {  	p0 =	seq.s32 s22, $0x9800;
	[tilespmem:s23+$0x9E50] =	vst v22;
	v23 =	vpop (erf)  }
0x63: {  	s24 =	sshra.s32 @!p0 s22, $0x2;
	[tilespmem:s23+$0x9E60] =	vst v23;
	v24 =	vpop (erf)  }
0x64: {  	s26 =	simm.s32 @!p0 $0x80;
	s25 =	sadd.s32 @!p0 $0x7780, s24;
	s24 =	sadd.s32 @!p0 $0x5000, s24;
	[tilespmem:s23+$0x9E70] =	vst v24  }
0x65: {  	[tilespmem:s25], [sflag:$0x1] =	stream.indirect.gather @!p0 [hbm4b:s2+s26], $0x1, s24, s26, $0xb8;
	[tilespmem:$0xC580] =	vst v63  }
0x66: {  	_ =	swait.ge [sflag:s16], $0x80  }
0x67: {  	[sflag:s16] =	ssyncset.done $0x0  }
0x68: {  	[sflag:s16] =	ssyncadd.s32 $0xFFFFFF80  }
0x69: {  	v25 =	vld [tilespmem:s23+$0x7700]  }
0x6a: {  	v26 =	vld [tilespmem:s23+$0x2800]  }
0x6b: {  	v27 =	vld [tilespmem:s23+$0x7710]  }
0x6c: {  	v28 =	vld [tilespmem:s23+$0x2810]  }
0x6d: {  	v29 =	vld [tilespmem:s23+$0x7720]  }
0x6e: {  	v31 =	vld [tilespmem:s23+$0x2820]  }
0x6f: {  	v32 =	vld [tilespmem:s23+$0x7730]  }
0x70: {  	v33 =	vld [tilespmem:s23+$0x2830]  }
0x71: {  	v35 =	vld [tilespmem:s23+$0x7740]  }
0x72: {  	v36 =	vld [tilespmem:s23+$0x2840]  }
0x73: {  	v37 =	vld [tilespmem:s23+$0x7750]  }
0x74: {  	v9 =	vld [tilespmem:s23+$0x2850]  }
0x75: {  	v41 =	vld [tilespmem:s23+$0x7760]  }
0x76: {  	v43 =	vld [tilespmem:s23+$0x2860];
	vm8 =	vgt.s32 v26, $0x13FF;
	v30 =	vand.u32 $0xFFFF0000, v25  }
0x77: {  	v47 =	vld [tilespmem:s23+$0x7770];
	v0 =	vshll.u32 v25, $0x10;
	vm9 =	vgt.s32 v28, $0x13FF;
	v34 =	vand.u32 $0xFFFF0000, v27  }
0x78: {  	v48 =	vld [tilespmem:s23+$0x2870];
	v2 =	vshll.u32 v27, $0x10;
	vm10 =	vgt.s32 v31, $0x13FF;
	v38 =	vand.u32 $0xFFFF0000, v29  }
0x79: {  	v4 =	vshll.u32 v29, $0x10;
	vm11 =	vgt.s32 v33, $0x13FF;
	v42 =	vand.u32 $0xFFFF0000, v32  }
0x7a: {  	v1 =	vshll.u32 v32, $0x10;
	vm12 =	vgt.s32 v36, $0x13FF;
	v45 =	vand.u32 $0xFFFF0000, v35  }
0x7b: {  	v46 =	vshll.u32 v35, $0x10;
	vm13 =	vgt.s32 v9, $0x13FF;
	v49 =	vand.u32 $0xFFFF0000, v37  }
0x7c: {  	v8 =	vshll.u32 v37, $0x10;
	vm14 =	vgt.s32 v43, $0x13FF;
	v50 =	vand.u32 $0xFFFF0000, v41  }
0x7d: {  	vm15 =	vgt.s32 v48, $0x13FF;
	v53 =	vand.u32 $0xFFFF0000, v47;
	v5 =	vshll.u32 v47, $0x10  }
0x7e: {  	v0 =	vsel vm8, v30, v0;
	v2 =	vsel vm9, v34, v2;
	v40 =	vsel vm10, v38, v4  }
0x7f: {  	v1 =	vsel vm11, v42, v1;
	v4 =	vshll.u32 v41, $0x10;
	v0 =	vadd.f32 $-1.000000000e+00, v0  }
0x80: {  	v7 =	vsel vm13, v49, v8;
	v3 =	vsel vm15, v53, v5;
	v2 =	vadd.f32 $-1.000000000e+00, v2  }
0x81: {  	v44 =	vadd.f32 $-1.000000000e+00, v40;
	v1 =	vadd.f32 $-1.000000000e+00, v1;
	v0 =	vmul.f32 $1.442695020e+00, v0  }
0x82: {  	v51 =	vsel vm14, v50, v4;
	v39 =	vmul.f32 $1.442695020e+00, v2;
	v2 =	vsel vm12, v45, v46  }
0x83: {  	v2 =	vadd.f32 $-1.000000000e+00, v2;
	(erf) = vpow2.f32 v0;
	v0 =	vmul.f32 $1.442695020e+00, v44  }
0x84: {  	v52 =	vadd.f32 $-1.000000000e+00, v7;
	v1 =	vmul.f32 $1.442695020e+00, v1;
	(erf) = vpow2.f32 v39  }
0x85: {  	v2 =	vmul.f32 $1.442695020e+00, v2;
	(erf) = vpow2.f32 v0;
	v0 =	vadd.f32 $-1.000000000e+00, v51  }
0x86: {  	v3 =	vadd.f32 $-1.000000000e+00, v3;
	v54 =	vmul.f32 $1.442695020e+00, v52;
	(erf) = vpow2.f32 v1  }
0x87: {  	(erf) = vpow2.f32 v2;
	v0 =	vmul.f32 $1.442695020e+00, v0  }
0x88: {  	v55 =	vmul.f32 $1.442695020e+00, v3;
	(erf) = vpow2.f32 v54  }
0x89: {  	(erf) = vpow2.f32 v0  }
0x8a: {  	(erf) = vpow2.f32 v55;
	_ =	sdelay $0x1  }
0x8b: {  	v56 =	vpop (erf)  }
0x8c: {  	v57 =	vpop (erf);
	[tilespmem:s23+$0x9E80] =	vst v56  }
0x8d: {  	v58 =	vpop (erf);
	[tilespmem:s23+$0x9E90] =	vst v57  }
0x8e: {  	v59 =	vpop (erf);
	[tilespmem:s23+$0x9EA0] =	vst v58  }
.Ltmp3:
0x8f: {  	v60 =	vpop (erf);
	[tilespmem:s23+$0x9EB0] =	vst v59;
	(pc) =	sbr.rel @p0 .LBB2_6-.Ltmp3, $4  }
0x90: {  	v61 =	vpop (erf);
	[tilespmem:s23+$0x9EC0] =	vst v60  }
0x91: {  	v62 =	vpop (erf);
	[tilespmem:s23+$0x9ED0] =	vst v61  }
0x92: {  	[tilespmem:s23+$0x9EE0] =	vst v62;
	v63 =	vpop (erf)  }
0x93: {  	[tilespmem:s23+$0x9EF0] =	vst v63  }
.Ltmp4:
0x94: {  	(pc) =	sbr.rel .LBB2_4-.Ltmp4, $3  }
0x95: {  	_ =	sdelay $0x1  }
0x96: {  	s24 =	sadd.s32 $0x7800, s23;
	s31 =	sadd.s32 $0x5080, s23;
	s22 =	sadd.s32 $0x400, s22  }
0x97: {  	[tilespmem:s24], [sflag:$0x2] =	stream.indirect.gather [hbm4b:s2+s10], $0x1, s31, s10, $0xb8;
	[tilespmem:$0xC580] =	vst v63  }
.LBB2_7:
0x98: {  	_ =	sfence.sel $0x180000  }
0x99: {  	[bflag:$0x0] =	sbarrier.arrive $0xFFFF  }
0x9a: {  	p0 =	sne.s32 s0, $0x0;
	_ =	strace $0x90000047  }
0x9b: {  	s0 =	sadd.s32 @!p0 $0x100000, s1;
	[bflag:$0x2] =	sbarrier.arrive $0xFFFF  }
0x9c: {  	[sflag:s0] =	ssyncadd.tile.s32 @!p0 $0x1;
	_ =	shalt  }
.Lfunc_end2:
_tile_overlayer_lowered:
.L_overlay_start_2:
0x9d: {  	(tag) =	ssettag $0x2  }
0x9e: {  	s0 =	rddreg [dreg:$0x0];
	s2 =	stileid.u32  }
0x9f: {  	s1 =	rddreg [dreg:$0x1];
	p0 =	sne.s32 s2, $0x0  }
0xa0: {  	s3 =	rddreg [dreg:$0x2];
	[bflag:$0x3] =	sbarrier.arrive $0xFFFF;
	s2 =	simm.s32 @!p0 $0x1C03  }
0xa1: {  	[timem:s3], [sflag:s2] =	dma.local @!p0 [hbm:s0], s1  }
0xa2: {  	s0 =	simm.s32 @!p0 $0x3  }
0xa3: {  	_ =	swait.ge @!p0 [sflag:s0], s1  }
0xa4: {  	s1 =	ssub.s32 @!p0 $0x0, s1;
	[sflag:s0] =	ssyncset.done @!p0 $0x0  }
0xa5: {  	[sflag:s0] =	ssyncadd.s32 @!p0 s1  }
0xa6: {  	[bflag:$0x3] =	sbarrier.arrive $0xFFFF  }
0xa7: {  	_ =	shalt  }

</sc_bundles>
